<compile_context>
chip_gen: v7x
topology: tpu7x:2x2x1
jax: 0.10.2.dev20260603
libtpu: 0.0.44.dev20260713+nightly
codegen_flags: <defaults>
</compile_context>

<pallas_src>
import jax
import jax.numpy as jnp
from jax.experimental import pallas as pl
from jax.experimental.pallas import tpu as pltpu

_R2 = 6.25


def _bf(x):
    return x.astype(jnp.bfloat16).astype(jnp.float32)
_BIO = 10000
_CH = 40
_NCH = _BIO // _CH
_BJ = 80
_W = 4.0


def _phase1_body(stats_f, stats_j, pos_i, pos_j, hx_is, hx_jc, n2jr,
                 w1a, b1a, hcol, cnt, sumh, sumh2):
    jb = pl.program_id(0)
    ib = pl.program_id(1)

    @pl.when(ib == 0)
    def _():
        hcol[...] = jnp.zeros_like(hcol)
        cnt[...] = jnp.zeros_like(cnt)

    @pl.when((ib == 0) & (jb == 0))
    def _():
        sumh[...] = jnp.zeros_like(sumh)
        sumh2[...] = jnp.zeros_like(sumh2)

    pj = pos_j[...]
    w1a_bf = _bf(w1a[...])
    pj_bf = _bf(pj)
    bj = jnp.dot(pj_bf, w1a_bf[3:6, :],
                 preferred_element_type=jnp.float32)
    bj16 = bj.astype(jnp.bfloat16)
    n2j = n2jr[0]
    hxj = hx_jc[0]
    xj_min = stats_j[0, jb]
    xj_max = stats_j[1, jb]
    yj_min = stats_j[2, jb]
    yj_max = stats_j[3, jb]
    n2j_max = stats_j[4, jb]
    shape3 = (_CH, pj.shape[0], 128)

    def chunk(c, carry):
        gc = ib * _NCH + c
        xgap = jnp.maximum(jnp.maximum(xj_min - stats_f[1, gc],
                                       stats_f[0, gc] - xj_max), 0.0)
        ygap = jnp.maximum(jnp.maximum(yj_min - stats_f[3, gc],
                                       stats_f[2, gc] - yj_max), 0.0)
        slack = (stats_f[4, gc] + n2j_max) * 0.00390625 + 0.5

        @pl.when(xgap * xgap + ygap * ygap <= _R2 + slack)
        def _():
            pi = pos_i[pl.ds(c * _CH, _CH), :]
            hxi = hx_is[pl.ds(c * _CH, _CH), :]
            pi_bf = _bf(pi)
            ai = jnp.dot(pi_bf, w1a_bf[0:3, :],
                         preferred_element_type=jnp.float32) + b1a[...]
            n2i = jnp.sum(pi * pi, axis=1, keepdims=True)
            g = jax.lax.dot_general(pi_bf, pj_bf, (((1,), (1,)), ((), ())),
                                    preferred_element_type=jnp.float32)
            d2 = n2i + n2j - 2.0 * g
            mf = ((d2 <= _R2) & (hxi != hxj)).astype(jnp.float32)
            pen = (mf - 1.0) * 1e30
            x = (jax.lax.broadcast_in_dim(ai.astype(jnp.bfloat16), shape3,
                                          (0, 2))
                 + jax.lax.broadcast_in_dim(bj16, shape3, (1, 2))
                 + jax.lax.broadcast_in_dim(pen.astype(jnp.bfloat16), shape3,
                                            (0, 1)))
            hm = jnp.maximum(x, jnp.bfloat16(0.0))
            cs = jnp.sum(hm, axis=0).astype(jnp.float32)
            a2 = jnp.sum(hm * hm, axis=0).astype(jnp.float32)
            hcol[...] += cs
            cnt[...] += jnp.sum(mf, axis=0).reshape(1, 1, -1)
            sumh[...] += jnp.sum(cs, axis=0, keepdims=True)
            sumh2[...] += jnp.sum(a2, axis=0, keepdims=True)

        return carry

    jax.lax.fori_loop(0, _NCH, chunk, 0)


def _phase2_body(pos, hcol, cnt, sumh, sumh2, w1b, b1b, g1, be1,
                 w2a, b2a, g2, be2, w2b, b2b, out):
    e = jnp.sum(cnt[...])
    m = sumh[...] / e
    v = sumh2[...] / e - m * m
    scale = g1[...] * jax.lax.rsqrt(v + 1e-5)
    ceff = jnp.dot(be1[...] - m * scale, w1b[...],
                   preferred_element_type=jnp.float32) + b1b[...]
    s = jnp.dot(hcol[...] * scale, w1b[...],
                preferred_element_type=jnp.float32) + cnt[...] * ceff
    u = s / jnp.maximum(cnt[...], 1.0)

    w2a_bf = _bf(w2a[...])
    t = (jnp.dot(_bf(pos[...]), w2a_bf[0:3, :],
                 preferred_element_type=jnp.float32)
         + jnp.dot(_bf(u), w2a_bf[3:6, :],
                   preferred_element_type=jnp.float32)
         + b2a[...])
    t = jnp.maximum(t, 0.0)
    m2 = jnp.mean(t, axis=0, keepdims=True)
    d = t - m2
    v2 = jnp.mean(d * d, axis=0, keepdims=True)
    tn = d * jax.lax.rsqrt(v2 + 1e-5) * g2[...] + be2[...]
    out[...] = jnp.dot(_bf(tn), _bf(w2b[...]),
                       preferred_element_type=jnp.float32) + b2b[...]


def kernel(pos, helix, W1a, b1a, g1, be1, W1b, b1b, W2a, b2a, g2, be2, W2b, b2b):
    n = pos.shape[0]
    nj = n // _BJ
    ni = n // _BIO
    nch = n // _CH
    perm = jnp.argsort(jnp.floor(pos[:, 0] / _W) * 256.0 + pos[:, 1])
    pos = pos[perm]
    helix = helix[perm]
    hx_c = helix.reshape(n, 1)
    hx_r = helix.reshape(nj, 1, _BJ)
    n2v = jnp.sum(pos * pos, axis=1)
    n2r = n2v.reshape(nj, 1, _BJ)
    xf = pos[:, 0].reshape(nch, _CH)
    yf = pos[:, 1].reshape(nch, _CH)
    stats_f = jnp.stack([jnp.min(xf, axis=1), jnp.max(xf, axis=1),
                         jnp.min(yf, axis=1), jnp.max(yf, axis=1),
                         jnp.max(n2v.reshape(nch, _CH), axis=1)], axis=0)
    xj = pos[:, 0].reshape(nj, _BJ)
    yj = pos[:, 1].reshape(nj, _BJ)
    stats_j = jnp.stack([jnp.min(xj, axis=1), jnp.max(xj, axis=1),
                         jnp.min(yj, axis=1), jnp.max(yj, axis=1),
                         jnp.max(n2v.reshape(nj, _BJ), axis=1)], axis=0)
    b1a2 = b1a.reshape(1, -1)

    hcol, cnt, sumh, sumh2 = pl.pallas_call(
        _phase1_body,
        grid=(nj, ni),
        in_specs=[
            pl.BlockSpec((5, nch), lambda jb, ib: (0, 0),
                         memory_space=pltpu.SMEM),
            pl.BlockSpec((5, nj), lambda jb, ib: (0, 0),
                         memory_space=pltpu.SMEM),
            pl.BlockSpec((_BIO, 3), lambda jb, ib: (ib, 0)),
            pl.BlockSpec((_BJ, 3), lambda jb, ib: (jb, 0)),
            pl.BlockSpec((_BIO, 1), lambda jb, ib: (ib, 0)),
            pl.BlockSpec((1, 1, _BJ), lambda jb, ib: (jb, 0, 0)),
            pl.BlockSpec((1, 1, _BJ), lambda jb, ib: (jb, 0, 0)),
            pl.BlockSpec((6, 128), lambda jb, ib: (0, 0)),
            pl.BlockSpec((1, 128), lambda jb, ib: (0, 0)),
        ],
        out_specs=[
            pl.BlockSpec((_BJ, 128), lambda jb, ib: (jb, 0)),
            pl.BlockSpec((1, 1, _BJ), lambda jb, ib: (jb, 0, 0)),
            pl.BlockSpec((1, 128), lambda jb, ib: (0, 0)),
            pl.BlockSpec((1, 128), lambda jb, ib: (0, 0)),
        ],
        out_shape=[
            jax.ShapeDtypeStruct((n, 128), jnp.float32),
            jax.ShapeDtypeStruct((nj, 1, _BJ), jnp.float32),
            jax.ShapeDtypeStruct((1, 128), jnp.float32),
            jax.ShapeDtypeStruct((1, 128), jnp.float32),
        ],
        compiler_params=pltpu.CompilerParams(
            dimension_semantics=("arbitrary", "arbitrary")),
    )(stats_f, stats_j, pos, pos, hx_c, hx_r, n2r, W1a, b1a2)

    out = pl.pallas_call(
        _phase2_body,
        out_shape=jax.ShapeDtypeStruct((n, 3), jnp.float32),
    )(pos, hcol, cnt.reshape(n, 1), sumh, sumh2,
      W1b, b1b.reshape(1, -1), g1.reshape(1, -1), be1.reshape(1, -1),
      W2a, b2a.reshape(1, -1), g2.reshape(1, -1), be2.reshape(1, -1),
      W2b, b2b.reshape(1, -1))
    inv = jnp.zeros((n,), jnp.int32).at[perm].set(
        jnp.arange(n, dtype=jnp.int32))
    return out[inv]

# --- scband reference (transcript-rebuilt; emitter-appended) ---
"""Pipeline reference for scband-electro-interact-82575041233374 (READ-ONLY COPY).

The authoritative reference and input builder live on the scoring server;
editing this copy changes nothing except your own understanding.
"""

import jax, jax.numpy as jnp
import numpy as np

N = 10000
NODE_DIM = 3
HIDDEN_DIM = 128
R = 2.5
N_HELICES = 20


def _linear_init(key, fan_in, fan_out):
    k1, k2 = jax.random.split(key)
    bound = 1.0 / np.sqrt(fan_in)
    W = jax.random.uniform(k1, (fan_in, fan_out), minval=-bound, maxval=bound, dtype=jnp.float32)
    b = jax.random.uniform(k2, (fan_out,), minval=-bound, maxval=bound, dtype=jnp.float32)
    return W, b


def setup_inputs(seed: int = 0):
    key = jax.random.key(seed)
    ks = jax.random.split(key, 8)
    # scale positions so that radius r=2.5 yields ~16 avg neighbors (avoids near-complete graph)
    pos = jax.random.normal(ks[0], (N, NODE_DIM), dtype=jnp.float32) * 10.0
    helix = jax.random.randint(ks[1], (N,), 0, N_HELICES, dtype=jnp.int32)
    W1a, b1a = _linear_init(ks[2], 2 * NODE_DIM, HIDDEN_DIM)
    W1b, b1b = _linear_init(ks[3], HIDDEN_DIM, NODE_DIM)
    W2a, b2a = _linear_init(ks[4], 2 * NODE_DIM, HIDDEN_DIM)
    W2b, b2b = _linear_init(ks[5], HIDDEN_DIM, NODE_DIM)
    g1 = jnp.ones((HIDDEN_DIM,), jnp.float32)
    be1 = jnp.zeros((HIDDEN_DIM,), jnp.float32)
    g2 = jnp.ones((HIDDEN_DIM,), jnp.float32)
    be2 = jnp.zeros((HIDDEN_DIM,), jnp.float32)
    return {"pos": pos, "helix": helix,
            "W1a": W1a, "b1a": b1a, "g1": g1, "be1": be1, "W1b": W1b, "b1b": b1b,
            "W2a": W2a, "b2a": b2a, "g2": g2, "be2": be2, "W2b": W2b, "b2b": b2b}


def _radius_mask(pos, r):
    n2 = jnp.sum(pos * pos, axis=1)
    d2 = n2[:, None] + n2[None, :] - 2.0 * (pos @ pos.T)
    return (d2 <= r * r) & (~jnp.eye(pos.shape[0], dtype=bool))


def _batchnorm(x, g, b, eps=1e-5):
    m = jnp.mean(x, axis=0)
    v = jnp.var(x, axis=0)  # biased variance, matches torch BN training-mode normalization
    return (x - m) / jnp.sqrt(v + eps) * g + b


def _mlp(u, Wa, ba, g, be, Wb, bb):
    u = u @ Wa + ba
    u = jax.nn.relu(u)
    u = _batchnorm(u, g, be)
    return u @ Wb + bb


def reference(pos, helix, W1a, b1a, g1, be1, W1b, b1b, W2a, b2a, g2, be2, W2b, b2b):
    n = pos.shape[0]
    mask = _radius_mask(pos, R) & (helix[:, None] != helix[None, :])
    E = jnp.sum(mask.astype(jnp.float32))

    B = 50
    NB = n // B

    def _block(i):
        pr = jax.lax.dynamic_slice(pos, (i * B, 0), (B, NODE_DIM))
        src = jnp.broadcast_to(pr[:, None, :], (B, n, NODE_DIM)).reshape(B * n, NODE_DIM)
        dst = jnp.broadcast_to(pos[None, :, :], (B, n, NODE_DIM)).reshape(B * n, NODE_DIM)
        u = jnp.concatenate([src, dst], axis=1)
        h = jax.nn.relu(u @ W1a + b1a)
        mb = jax.lax.dynamic_slice(mask, (i * B, 0), (B, n)).reshape(B * n)
        return h, mb

    def body1(i, acc):
        h, mb = _block(i)
        return acc + jnp.sum(jnp.where(mb[:, None], h, 0.0), axis=0)

    sum_h = jax.lax.fori_loop(0, NB, body1, jnp.zeros((HIDDEN_DIM,), jnp.float32))
    m = sum_h / E

    def body2(i, acc):
        h, mb = _block(i)
        d = h - m
        return acc + jnp.sum(jnp.where(mb[:, None], d * d, 0.0), axis=0)

    sum_sq = jax.lax.fori_loop(0, NB, body2, jnp.zeros((HIDDEN_DIM,), jnp.float32))
    v = sum_sq / E

    def body3(i, carry):
        s, cnt = carry
        h, mb = _block(i)
        xh = (h - m) / jnp.sqrt(v + 1e-5) * g1 + be1
        out = xh @ W1b + b1b
        out = jnp.where(mb[:, None], out, 0.0).reshape(B, n, NODE_DIM)
        s = s + jnp.sum(out, axis=0)
        cnt = cnt + jnp.sum(mb.reshape(B, n).astype(jnp.float32), axis=0)
        return s, cnt

    s, cnt = jax.lax.fori_loop(
        0, NB, body3,
        (jnp.zeros((n, NODE_DIM), jnp.float32), jnp.zeros((n,), jnp.float32)))

    u = s / jnp.maximum(cnt, 1.0)[:, None]
    u = jnp.concatenate([pos, u], axis=1)
    u = _mlp(u, W2a, b2a, g2, be2, W2b, b2b)
    return u

if __name__ == "__main__":
    import jax
    _d = setup_inputs()
    print(jax.jit(kernel)(*tuple(_d.values())))

</pallas_src>

<mosaic_0001>
module attributes {stable_mosaic.version = 14 : i64} {
  func.func @_phase1_body(%arg0: i32, %arg1: i32, %arg2: memref<5x250xf32, #tpu.memory_space<smem>>, %arg3: memref<5x125xf32, #tpu.memory_space<smem>>, %arg4: memref<10000x3xf32, #tpu.memory_space<vmem>>, %arg5: memref<80x3xf32, #tpu.memory_space<vmem>>, %arg6: memref<10000x1xi32, #tpu.memory_space<vmem>>, %arg7: memref<1x1x80xi32, #tpu.memory_space<vmem>>, %arg8: memref<1x1x80xf32, #tpu.memory_space<vmem>>, %arg9: memref<6x128xf32, #tpu.memory_space<vmem>>, %arg10: memref<1x128xf32, #tpu.memory_space<vmem>>, %arg11: memref<80x128xf32, #tpu.memory_space<vmem>>, %arg12: memref<1x1x80xf32, #tpu.memory_space<vmem>>, %arg13: memref<1x128xf32, #tpu.memory_space<vmem>>, %arg14: memref<1x128xf32, #tpu.memory_space<vmem>>) attributes {dimension_semantics = [#tpu.dimension_semantics<arbitrary>, #tpu.dimension_semantics<arbitrary>], iteration_bounds = array<i64: 125, 1>, scalar_prefetch = 0 : i64, scratch_operands = 0 : i64, tpu.core_type = #tpu.core_type<tc>, window_params = [{transform_indices = @transform_0, window_bounds = array<i64: 5, 250>}, {transform_indices = @transform_1, window_bounds = array<i64: 5, 125>}, {transform_indices = @transform_2, window_bounds = array<i64: 10000, 3>}, {transform_indices = @transform_3, window_bounds = array<i64: 80, 3>}, {transform_indices = @transform_4, window_bounds = array<i64: 10000, 1>}, {transform_indices = @transform_5, window_bounds = array<i64: 1, 1, 80>}, {transform_indices = @transform_6, window_bounds = array<i64: 1, 1, 80>}, {pipeline_mode = #tpu.pipeline_mode<synchronous>, transform_indices = @transform_7, window_bounds = array<i64: 6, 128>}, {pipeline_mode = #tpu.pipeline_mode<synchronous>, transform_indices = @transform_8, window_bounds = array<i64: 1, 128>}, {transform_indices = @transform_9, window_bounds = array<i64: 80, 128>}, {transform_indices = @transform_10, window_bounds = array<i64: 1, 1, 80>}, {pipeline_mode = #tpu.pipeline_mode<synchronous>, transform_indices = @transform_11, window_bounds = array<i64: 1, 128>}, {pipeline_mode = #tpu.pipeline_mode<synchronous>, transform_indices = @transform_12, window_bounds = array<i64: 1, 128>}]} {
    %eq3A = arith.constant 0 : i32
    %eq3A_0 = arith.cmpi eq, %arg1, %eq3A : i32
    %convert_element_type3A = arith.extui %eq3A_0 : i1 to i32
    %cond3A = arith.constant 0 : i32
    %cond3A_1 = arith.cmpi ne, %convert_element_type3A, %cond3A : i32
    scf.if %cond3A_1 {
      %broadcast_in_dim3A = arith.constant 0.000000e+00 : f32
      %broadcast_in_dim3A_49 = vector.broadcast %broadcast_in_dim3A : f32 to vector<80x128xf32>
      %swap3A = arith.constant 0 : index
      %swap3A_50 = arith.constant 0 : index
      %swap3A_51 = vector.load %arg11[%swap3A, %swap3A_50] : memref<80x128xf32, #tpu.memory_space<vmem>>, vector<80x128xf32>
      tpu.vector_store %arg11[%swap3A, %swap3A_50], %broadcast_in_dim3A_49 {strides = array<i32>} : memref<80x128xf32, #tpu.memory_space<vmem>>, vector<80x128xf32>,
      %broadcast_in_dim3A_52 = arith.constant 0.000000e+00 : f32
      %broadcast_in_dim3A_53 = vector.broadcast %broadcast_in_dim3A_52 : f32 to vector<1x1x80xf32>
      %swap3A_54 = arith.constant 0 : index
      %swap3A_55 = arith.constant 0 : index
      %swap3A_56 = arith.constant 0 : index
      %swap3A_57 = vector.load %arg12[%swap3A_54, %swap3A_55, %swap3A_56] : memref<1x1x80xf32, #tpu.memory_space<vmem>>, vector<1x1x80xf32>
      tpu.vector_store %arg12[%swap3A_54, %swap3A_55, %swap3A_56], %broadcast_in_dim3A_53 {strides = array<i32>} : memref<1x1x80xf32, #tpu.memory_space<vmem>>, vector<1x1x80xf32>,
    } else {
    }
    %eq3A_2 = arith.constant 0 : i32
    %eq3A_3 = arith.cmpi eq, %arg1, %eq3A_2 : i32
    %eq3A_4 = arith.constant 0 : i32
    %eq3A_5 = arith.cmpi eq, %arg0, %eq3A_4 : i32
    %and3A = arith.andi %eq3A_3, %eq3A_5 : i1
    %convert_element_type3A_6 = arith.extui %and3A : i1 to i32
    %cond3A_7 = arith.constant 0 : i32
    %cond3A_8 = arith.cmpi ne, %convert_element_type3A_6, %cond3A_7 : i32
    scf.if %cond3A_8 {
      %broadcast_in_dim3A = arith.constant 0.000000e+00 : f32
      %broadcast_in_dim3A_49 = vector.broadcast %broadcast_in_dim3A : f32 to vector<1x128xf32>
      %swap3A = arith.constant 0 : index
      %swap3A_50 = arith.constant 0 : index
      %swap3A_51 = vector.load %arg13[%swap3A, %swap3A_50] : memref<1x128xf32, #tpu.memory_space<vmem>>, vector<1x128xf32>
      tpu.vector_store %arg13[%swap3A, %swap3A_50], %broadcast_in_dim3A_49 {strides = array<i32>} : memref<1x128xf32, #tpu.memory_space<vmem>>, vector<1x128xf32>,
      %broadcast_in_dim3A_52 = arith.constant 0.000000e+00 : f32
      %broadcast_in_dim3A_53 = vector.broadcast %broadcast_in_dim3A_52 : f32 to vector<1x128xf32>
      %swap3A_54 = arith.constant 0 : index
      %swap3A_55 = arith.constant 0 : index
      %swap3A_56 = vector.load %arg14[%swap3A_54, %swap3A_55] : memref<1x128xf32, #tpu.memory_space<vmem>>, vector<1x128xf32>
      tpu.vector_store %arg14[%swap3A_54, %swap3A_55], %broadcast_in_dim3A_53 {strides = array<i32>} : memref<1x128xf32, #tpu.memory_space<vmem>>, vector<1x128xf32>,
    } else {
    }
    %get3A = arith.constant 0 : index
    %get3A_9 = arith.constant 0 : index
    %get3A_10 = vector.load %arg5[%get3A, %get3A_9] : memref<80x3xf32, #tpu.memory_space<vmem>>, vector<80x3xf32>
    %get3A_11 = arith.constant 0 : index
    %get3A_12 = arith.constant 0 : index
    %get3A_13 = vector.load %arg9[%get3A_11, %get3A_12] : memref<6x128xf32, #tpu.memory_space<vmem>>, vector<6x128xf32>
    %convert_element_type3A_14 = arith.truncf %get3A_13 : vector<6x128xf32> to vector<6x128xbf16>
    %convert_element_type3A_15 = arith.extf %convert_element_type3A_14 : vector<6x128xbf16> to vector<6x128xf32>
    %convert_element_type3A_16 = arith.truncf %get3A_10 : vector<80x3xf32> to vector<80x3xbf16>
    %convert_element_type3A_17 = arith.extf %convert_element_type3A_16 : vector<80x3xbf16> to vector<80x3xf32>
    %slice3A = vector.extract_strided_slice %convert_element_type3A_15 {offsets = [3, 0], sizes = [3, 128], strides = [1, 1]} : vector<6x128xf32> to vector<3x128xf32>
    %dot_general3A = arith.constant dense<0.000000e+00> : vector<80x128xf32>
    %dot_general3A_18 = tpu.matmul %convert_element_type3A_17, %slice3A, %dot_general3A {dimension_numbers = #tpu.dot_dimension_numbers<[1], [0], [0], [1], [0, 0, 1, 1], [], []>, transpose_lhs_hint = false} : vector<80x3xf32>, vector<3x128xf32>, vector<80x128xf32> -> vector<80x128xf32>
    %convert_element_type3A_19 = arith.truncf %dot_general3A_18 : vector<80x128xf32> to vector<80x128xbf16>
    %get3A_20 = arith.constant 0 : index
    %get3A_21 = arith.constant 0 : index
    %get3A_22 = arith.constant 0 : index
    %get3A_23 = vector.load %arg8[%get3A_20, %get3A_21, %get3A_22] : memref<1x1x80xf32, #tpu.memory_space<vmem>>, vector<1x1x80xf32>
    %get3A_24 = vector.shape_cast %get3A_23 : vector<1x1x80xf32> to vector<1x80xf32>
    %get3A_25 = arith.constant 0 : index
    %get3A_26 = arith.constant 0 : index
    %get3A_27 = arith.constant 0 : index
    %get3A_28 = vector.load %arg7[%get3A_25, %get3A_26, %get3A_27] : memref<1x1x80xi32, #tpu.memory_space<vmem>>, vector<1x1x80xi32>
    %get3A_29 = vector.shape_cast %get3A_28 : vector<1x1x80xi32> to vector<1x80xi32>
    %get3A_30 = arith.constant 0 : index
    %get3A_31 = arith.index_cast %arg0 : i32 to index
    %get3A_32 = memref.load %arg3[%get3A_30, %get3A_31] : memref<5x125xf32, #tpu.memory_space<smem>>
    %get3A_33 = arith.constant 1 : index
    %get3A_34 = arith.index_cast %arg0 : i32 to index
    %get3A_35 = memref.load %arg3[%get3A_33, %get3A_34] : memref<5x125xf32, #tpu.memory_space<smem>>
    %get3A_36 = arith.constant 2 : index
    %get3A_37 = arith.index_cast %arg0 : i32 to index
    %get3A_38 = memref.load %arg3[%get3A_36, %get3A_37] : memref<5x125xf32, #tpu.memory_space<smem>>
    %get3A_39 = arith.constant 3 : index
    %get3A_40 = arith.index_cast %arg0 : i32 to index
    %get3A_41 = memref.load %arg3[%get3A_39, %get3A_40] : memref<5x125xf32, #tpu.memory_space<smem>>
    %get3A_42 = arith.constant 4 : index
    %get3A_43 = arith.index_cast %arg0 : i32 to index
    %get3A_44 = memref.load %arg3[%get3A_42, %get3A_43] : memref<5x125xf32, #tpu.memory_space<smem>>
    %scan3A = arith.constant 0 : i32
    %scan3A_45 = arith.constant 250 : i32
    %scan3A_46 = arith.addi %scan3A, %scan3A_45 : i32
    %scan3A_47 = arith.constant 1 : i32
    scf.for %scan3A_49 = %scan3A to %scan3A_46 step %scan3A_47  : i32 {
      %mul3A = arith.constant 250 : i32
      %mul3A_50 = arith.muli %arg1, %mul3A : i32
      %add3A = arith.addi %mul3A_50, %scan3A_49 : i32
      %get3A_51 = arith.constant 1 : index
      %get3A_52 = arith.index_cast %add3A : i32 to index
      %get3A_53 = memref.load %arg2[%get3A_51, %get3A_52] : memref<5x250xf32, #tpu.memory_space<smem>>
      %sub3A = arith.subf %get3A_32, %get3A_53 : f32
      %get3A_54 = arith.constant 0 : index
      %get3A_55 = arith.index_cast %add3A : i32 to index
      %get3A_56 = memref.load %arg2[%get3A_54, %get3A_55] : memref<5x250xf32, #tpu.memory_space<smem>>
      %sub3A_57 = arith.subf %get3A_56, %get3A_35 : f32
      %max3A = arith.maximumf %sub3A, %sub3A_57 : f32
      %max3A_58 = arith.constant 0.000000e+00 : f32
      %max3A_59 = arith.maximumf %max3A, %max3A_58 : f32
      %get3A_60 = arith.constant 3 : index
      %get3A_61 = arith.index_cast %add3A : i32 to index
      %get3A_62 = memref.load %arg2[%get3A_60, %get3A_61] : memref<5x250xf32, #tpu.memory_space<smem>>
      %sub3A_63 = arith.subf %get3A_38, %get3A_62 : f32
      %get3A_64 = arith.constant 2 : index
      %get3A_65 = arith.index_cast %add3A : i32 to index
      %get3A_66 = memref.load %arg2[%get3A_64, %get3A_65] : memref<5x250xf32, #tpu.memory_space<smem>>
      %sub3A_67 = arith.subf %get3A_66, %get3A_41 : f32
      %max3A_68 = arith.maximumf %sub3A_63, %sub3A_67 : f32
      %max3A_69 = arith.constant 0.000000e+00 : f32
      %max3A_70 = arith.maximumf %max3A_68, %max3A_69 : f32
      %get3A_71 = arith.constant 4 : index
      %get3A_72 = arith.index_cast %add3A : i32 to index
      %get3A_73 = memref.load %arg2[%get3A_71, %get3A_72] : memref<5x250xf32, #tpu.memory_space<smem>>
      %add3A_74 = arith.addf %get3A_73, %get3A_44 : f32
      %mul3A_75 = arith.constant 3.906250e-03 : f32
      %mul3A_76 = arith.mulf %add3A_74, %mul3A_75 : f32
      %add3A_77 = arith.constant 5.000000e-01 : f32
      %add3A_78 = arith.addf %mul3A_76, %add3A_77 : f32
      %mul3A_79 = arith.mulf %max3A_59, %max3A_59 : f32
      %mul3A_80 = arith.mulf %max3A_70, %max3A_70 : f32
      %add3A_81 = arith.addf %mul3A_79, %mul3A_80 : f32
      %add3A_82 = arith.constant 6.250000e+00 : f32
      %add3A_83 = arith.addf %add3A_82, %add3A_78 : f32
      %le3A = arith.cmpf ole, %add3A_81, %add3A_83 : f32
      %convert_element_type3A_84 = arith.extui %le3A : i1 to i32
      %cond3A_85 = arith.constant 0 : i32
      %cond3A_86 = arith.cmpi ne, %convert_element_type3A_84, %cond3A_85 : i32
      scf.if %cond3A_86 {
        %mul3A_87 = arith.constant 40 : i32
        %mul3A_88 = arith.muli %scan3A_49, %mul3A_87 : i32
        %get3A_89 = arith.index_cast %mul3A_88 : i32 to index
        %get3A_90 = arith.constant 0 : index
        %get3A_91 = vector.load %arg4[%get3A_89, %get3A_90] : memref<10000x3xf32, #tpu.memory_space<vmem>>, vector<40x3xf32>
        %mul3A_92 = arith.constant 40 : i32
        %mul3A_93 = arith.muli %scan3A_49, %mul3A_92 : i32
        %get3A_94 = arith.index_cast %mul3A_93 : i32 to index
        %get3A_95 = arith.constant 0 : index
        %get3A_96 = vector.load %arg6[%get3A_94, %get3A_95] : memref<10000x1xi32, #tpu.memory_space<vmem>>, vector<40x1xi32>
        %convert_element_type3A_97 = arith.truncf %get3A_91 : vector<40x3xf32> to vector<40x3xbf16>
        %convert_element_type3A_98 = arith.extf %convert_element_type3A_97 : vector<40x3xbf16> to vector<40x3xf32>
        %slice3A_99 = vector.extract_strided_slice %convert_element_type3A_15 {offsets = [0, 0], sizes = [3, 128], strides = [1, 1]} : vector<6x128xf32> to vector<3x128xf32>
        %dot_general3A_100 = arith.constant dense<0.000000e+00> : vector<40x128xf32>
        %dot_general3A_101 = tpu.matmul %convert_element_type3A_98, %slice3A_99, %dot_general3A_100 {dimension_numbers = #tpu.dot_dimension_numbers<[1], [0], [0], [1], [0, 0, 1, 1], [], []>, transpose_lhs_hint = false} : vector<40x3xf32>, vector<3x128xf32>, vector<40x128xf32> -> vector<40x128xf32>
        %get3A_102 = arith.constant 0 : index
        %get3A_103 = arith.constant 0 : index
        %get3A_104 = vector.load %arg10[%get3A_102, %get3A_103] : memref<1x128xf32, #tpu.memory_space<vmem>>, vector<1x128xf32>
        %add3A_105 = vector.broadcast %get3A_104 : vector<1x128xf32> to vector<40x128xf32>
        %add3A_106 = arith.addf %dot_general3A_101, %add3A_105 : vector<40x128xf32>
        %mul3A_107 = arith.mulf %get3A_91, %get3A_91 : vector<40x3xf32>
        %reduce_sum3A = arith.constant dense<0.000000e+00> : vector<40xf32>
        %reduce_sum3A_108 = vector.multi_reduction <add>, %mul3A_107, %reduce_sum3A [1] : vector<40x3xf32> to vector<40xf32>
        %broadcast_in_dim3A = vector.shape_cast %reduce_sum3A_108 : vector<40xf32> to vector<40x1xf32>
        %dot_general3A_109 = arith.constant dense<0.000000e+00> : vector<40x80xf32>
        %dot_general3A_110 = tpu.matmul %convert_element_type3A_98, %convert_element_type3A_17, %dot_general3A_109 {dimension_numbers = #tpu.dot_dimension_numbers<[1], [1], [0], [0], [0, 0, 1, 0], [], []>, transpose_lhs_hint = false} : vector<40x3xf32>, vector<80x3xf32>, vector<40x80xf32> -> vector<40x80xf32>
        %add3A_111 = vector.broadcast %broadcast_in_dim3A : vector<40x1xf32> to vector<40x80xf32>
        %add3A_112 = vector.broadcast %get3A_24 : vector<1x80xf32> to vector<40x80xf32>
        %add3A_113 = arith.addf %add3A_111, %add3A_112 : vector<40x80xf32>
        %mul3A_114 = arith.constant 2.000000e+00 : f32
        %mul3A_115 = vector.broadcast %mul3A_114 : f32 to vector<40x80xf32>
        %mul3A_116 = arith.mulf %mul3A_115, %dot_general3A_110 : vector<40x80xf32>
        %sub3A_117 = arith.subf %add3A_113, %mul3A_116 : vector<40x80xf32>
        %le3A_118 = arith.constant 6.250000e+00 : f32
        %le3A_119 = vector.broadcast %le3A_118 : f32 to vector<40x80xf32>
        %le3A_120 = arith.cmpf ole, %sub3A_117, %le3A_119 : vector<40x80xf32>
        %ne3A = vector.broadcast %get3A_96 : vector<40x1xi32> to vector<40x80xi32>
        %ne3A_121 = vector.broadcast %get3A_29 : vector<1x80xi32> to vector<40x80xi32>
        %ne3A_122 = arith.cmpi ne, %ne3A, %ne3A_121 : vector<40x80xi32>
        %and3A_123 = arith.andi %le3A_120, %ne3A_122 : vector<40x80xi1>
        %convert_element_type3A_124 = arith.extui %and3A_123 : vector<40x80xi1> to vector<40x80xi32>
        %convert_element_type3A_125 = arith.sitofp %convert_element_type3A_124 : vector<40x80xi32> to vector<40x80xf32>
        %sub3A_126 = arith.constant 1.000000e+00 : f32
        %sub3A_127 = vector.broadcast %sub3A_126 : f32 to vector<40x80xf32>
        %sub3A_128 = arith.subf %convert_element_type3A_125, %sub3A_127 : vector<40x80xf32>
        %mul3A_129 = arith.constant 1.000000e+30 : f32
        %mul3A_130 = vector.broadcast %mul3A_129 : f32 to vector<40x80xf32>
        %mul3A_131 = arith.mulf %sub3A_128, %mul3A_130 : vector<40x80xf32>
        %convert_element_type3A_132 = arith.truncf %add3A_106 : vector<40x128xf32> to vector<40x128xbf16>
        %broadcast_in_dim3A_133 = vector.shape_cast %convert_element_type3A_132 : vector<40x128xbf16> to vector<40x1x128xbf16>
        %broadcast_in_dim3A_134 = vector.broadcast %broadcast_in_dim3A_133 : vector<40x1x128xbf16> to vector<40x80x128xbf16>
        %broadcast_in_dim3A_135 = vector.shape_cast %convert_element_type3A_19 : vector<80x128xbf16> to vector<1x80x128xbf16>
        %broadcast_in_dim3A_136 = vector.broadcast %broadcast_in_dim3A_135 : vector<1x80x128xbf16> to vector<40x80x128xbf16>
        %add3A_137 = arith.addf %broadcast_in_dim3A_134, %broadcast_in_dim3A_136 : vector<40x80x128xbf16>
        %convert_element_type3A_138 = arith.truncf %mul3A_131 : vector<40x80xf32> to vector<40x80xbf16>
        %broadcast_in_dim3A_139 = vector.shape_cast %convert_element_type3A_138 : vector<40x80xbf16> to vector<40x80x1xbf16>
        %broadcast_in_dim3A_140 = vector.broadcast %broadcast_in_dim3A_139 : vector<40x80x1xbf16> to vector<40x80x128xbf16>
        %add3A_141 = arith.addf %add3A_137, %broadcast_in_dim3A_140 : vector<40x80x128xbf16>
        %max3A_142 = arith.constant 0.000000e+00 : bf16
        %max3A_143 = vector.broadcast %max3A_142 : bf16 to vector<40x80x128xbf16>
        %max3A_144 = arith.maximumf %add3A_141, %max3A_143 : vector<40x80x128xbf16>
        %convert_element_type3A_145 = arith.extf %max3A_144 : vector<40x80x128xbf16> to vector<40x80x128xf32>
        %reduce_sum3A_146 = arith.constant dense<0.000000e+00> : vector<80x128xf32>
        %reduce_sum3A_147 = vector.multi_reduction <add>, %convert_element_type3A_145, %reduce_sum3A_146 [0] : vector<40x80x128xf32> to vector<80x128xf32>
        %convert_element_type3A_148 = arith.truncf %reduce_sum3A_147 : vector<80x128xf32> to vector<80x128xbf16>
        %convert_element_type3A_149 = arith.extf %convert_element_type3A_148 : vector<80x128xbf16> to vector<80x128xf32>
        %mul3A_150 = arith.mulf %max3A_144, %max3A_144 : vector<40x80x128xbf16>
        %convert_element_type3A_151 = arith.extf %mul3A_150 : vector<40x80x128xbf16> to vector<40x80x128xf32>
        %reduce_sum3A_152 = arith.constant dense<0.000000e+00> : vector<80x128xf32>
        %reduce_sum3A_153 = vector.multi_reduction <add>, %convert_element_type3A_151, %reduce_sum3A_152 [0] : vector<40x80x128xf32> to vector<80x128xf32>
        %convert_element_type3A_154 = arith.truncf %reduce_sum3A_153 : vector<80x128xf32> to vector<80x128xbf16>
        %convert_element_type3A_155 = arith.extf %convert_element_type3A_154 : vector<80x128xbf16> to vector<80x128xf32>
        %get3A_156 = arith.constant 0 : index
        %get3A_157 = arith.constant 0 : index
        %get3A_158 = vector.load %arg11[%get3A_156, %get3A_157] : memref<80x128xf32, #tpu.memory_space<vmem>>, vector<80x128xf32>
        %add3A_159 = arith.addf %get3A_158, %convert_element_type3A_149 : vector<80x128xf32>
        %swap3A = arith.constant 0 : index
        %swap3A_160 = arith.constant 0 : index
        %swap3A_161 = vector.load %arg11[%swap3A, %swap3A_160] : memref<80x128xf32, #tpu.memory_space<vmem>>, vector<80x128xf32>
        tpu.vector_store %arg11[%swap3A, %swap3A_160], %add3A_159 {strides = array<i32>} : memref<80x128xf32, #tpu.memory_space<vmem>>, vector<80x128xf32>,
        %get3A_162 = arith.constant 0 : index
        %get3A_163 = arith.constant 0 : index
        %get3A_164 = arith.constant 0 : index
        %get3A_165 = vector.load %arg12[%get3A_162, %get3A_163, %get3A_164] : memref<1x1x80xf32, #tpu.memory_space<vmem>>, vector<1x1x80xf32>
        %reduce_sum3A_166 = arith.constant dense<0.000000e+00> : vector<80xf32>
        %reduce_sum3A_167 = vector.multi_reduction <add>, %convert_element_type3A_125, %reduce_sum3A_166 [0] : vector<40x80xf32> to vector<80xf32>
        %reshape3A = vector.shape_cast %reduce_sum3A_167 : vector<80xf32> to vector<1x1x80xf32>
        %add3A_168 = arith.addf %get3A_165, %reshape3A : vector<1x1x80xf32>
        %swap3A_169 = arith.constant 0 : index
        %swap3A_170 = arith.constant 0 : index
        %swap3A_171 = arith.constant 0 : index
        %swap3A_172 = vector.load %arg12[%swap3A_169, %swap3A_170, %swap3A_171] : memref<1x1x80xf32, #tpu.memory_space<vmem>>, vector<1x1x80xf32>
        tpu.vector_store %arg12[%swap3A_169, %swap3A_170, %swap3A_171], %add3A_168 {strides = array<i32>} : memref<1x1x80xf32, #tpu.memory_space<vmem>>, vector<1x1x80xf32>,
        %get3A_173 = arith.constant 0 : index
        %get3A_174 = arith.constant 0 : index
        %get3A_175 = vector.load %arg13[%get3A_173, %get3A_174] : memref<1x128xf32, #tpu.memory_space<vmem>>, vector<1x128xf32>
        %reduce_sum3A_176 = arith.constant dense<0.000000e+00> : vector<128xf32>
        %reduce_sum3A_177 = vector.multi_reduction <add>, %convert_element_type3A_149, %reduce_sum3A_176 [0] : vector<80x128xf32> to vector<128xf32>
        %broadcast_in_dim3A_178 = vector.shape_cast %reduce_sum3A_177 : vector<128xf32> to vector<1x128xf32>
        %add3A_179 = arith.addf %get3A_175, %broadcast_in_dim3A_178 : vector<1x128xf32>
        %swap3A_180 = arith.constant 0 : index
        %swap3A_181 = arith.constant 0 : index
        %swap3A_182 = vector.load %arg13[%swap3A_180, %swap3A_181] : memref<1x128xf32, #tpu.memory_space<vmem>>, vector<1x128xf32>
        tpu.vector_store %arg13[%swap3A_180, %swap3A_181], %add3A_179 {strides = array<i32>} : memref<1x128xf32, #tpu.memory_space<vmem>>, vector<1x128xf32>,
        %get3A_183 = arith.constant 0 : index
        %get3A_184 = arith.constant 0 : index
        %get3A_185 = vector.load %arg14[%get3A_183, %get3A_184] : memref<1x128xf32, #tpu.memory_space<vmem>>, vector<1x128xf32>
        %reduce_sum3A_186 = arith.constant dense<0.000000e+00> : vector<128xf32>
        %reduce_sum3A_187 = vector.multi_reduction <add>, %convert_element_type3A_155, %reduce_sum3A_186 [0] : vector<80x128xf32> to vector<128xf32>
        %broadcast_in_dim3A_188 = vector.shape_cast %reduce_sum3A_187 : vector<128xf32> to vector<1x128xf32>
        %add3A_189 = arith.addf %get3A_185, %broadcast_in_dim3A_188 : vector<1x128xf32>
        %swap3A_190 = arith.constant 0 : index
        %swap3A_191 = arith.constant 0 : index
        %swap3A_192 = vector.load %arg14[%swap3A_190, %swap3A_191] : memref<1x128xf32, #tpu.memory_space<vmem>>, vector<1x128xf32>
        tpu.vector_store %arg14[%swap3A_190, %swap3A_191], %add3A_189 {strides = array<i32>} : memref<1x128xf32, #tpu.memory_space<vmem>>, vector<1x128xf32>,
      } else {
      }
    }
    %scan3A_48 = arith.constant 250 : i32
    return
  }
  func.func @transform_0(%arg0: i32, %arg1: i32) -> (i32, i32) {
    %c0_i32 = arith.constant 0 : i32
    %c0_i32_0 = arith.constant 0 : i32
    %c0_i32_1 = arith.constant 0 : i32
    return %c0_i32, %c0_i32_0 : i32, i32
  }
  func.func @transform_1(%arg0: i32, %arg1: i32) -> (i32, i32) {
    %c0_i32 = arith.constant 0 : i32
    %c0_i32_0 = arith.constant 0 : i32
    %c0_i32_1 = arith.constant 0 : i32
    return %c0_i32, %c0_i32_0 : i32, i32
  }
  func.func @transform_2(%arg0: i32, %arg1: i32) -> (i32, i32) {
    %c0_i32 = arith.constant 0 : i32
    %c0_i32_0 = arith.constant 0 : i32
    return %arg1, %c0_i32 : i32, i32
  }
  func.func @transform_3(%arg0: i32, %arg1: i32) -> (i32, i32) {
    %c0_i32 = arith.constant 0 : i32
    %c0_i32_0 = arith.constant 0 : i32
    return %arg0, %c0_i32 : i32, i32
  }
  func.func @transform_4(%arg0: i32, %arg1: i32) -> (i32, i32) {
    %c0_i32 = arith.constant 0 : i32
    %c0_i32_0 = arith.constant 0 : i32
    return %arg1, %c0_i32 : i32, i32
  }
  func.func @transform_5(%arg0: i32, %arg1: i32) -> (i32, i32, i32) {
    %c0_i32 = arith.constant 0 : i32
    %c0_i32_0 = arith.constant 0 : i32
    %c0_i32_1 = arith.constant 0 : i32
    return %arg0, %c0_i32, %c0_i32_0 : i32, i32, i32
  }
  func.func @transform_6(%arg0: i32, %arg1: i32) -> (i32, i32, i32) {
    %c0_i32 = arith.constant 0 : i32
    %c0_i32_0 = arith.constant 0 : i32
    %c0_i32_1 = arith.constant 0 : i32
    return %arg0, %c0_i32, %c0_i32_0 : i32, i32, i32
  }
  func.func @transform_7(%arg0: i32, %arg1: i32) -> (i32, i32) {
    %c0_i32 = arith.constant 0 : i32
    %c0_i32_0 = arith.constant 0 : i32
    %c0_i32_1 = arith.constant 0 : i32
    return %c0_i32, %c0_i32_0 : i32, i32
  }
  func.func @transform_8(%arg0: i32, %arg1: i32) -> (i32, i32) {
    %c0_i32 = arith.constant 0 : i32
    %c0_i32_0 = arith.constant 0 : i32
    %c0_i32_1 = arith.constant 0 : i32
    return %c0_i32, %c0_i32_0 : i32, i32
  }
  func.func @transform_9(%arg0: i32, %arg1: i32) -> (i32, i32) {
    %c0_i32 = arith.constant 0 : i32
    %c0_i32_0 = arith.constant 0 : i32
    return %arg0, %c0_i32 : i32, i32
  }
  func.func @transform_10(%arg0: i32, %arg1: i32) -> (i32, i32, i32) {
    %c0_i32 = arith.constant 0 : i32
    %c0_i32_0 = arith.constant 0 : i32
    %c0_i32_1 = arith.constant 0 : i32
    return %arg0, %c0_i32, %c0_i32_0 : i32, i32, i32
  }
  func.func @transform_11(%arg0: i32, %arg1: i32) -> (i32, i32) {
    %c0_i32 = arith.constant 0 : i32
    %c0_i32_0 = arith.constant 0 : i32
    %c0_i32_1 = arith.constant 0 : i32
    return %c0_i32, %c0_i32_0 : i32, i32
  }
  func.func @transform_12(%arg0: i32, %arg1: i32) -> (i32, i32) {
    %c0_i32 = arith.constant 0 : i32
    %c0_i32_0 = arith.constant 0 : i32
    %c0_i32_1 = arith.constant 0 : i32
    return %c0_i32, %c0_i32_0 : i32, i32
  }
}

module attributes {stable_mosaic.version = 14 : i64} {
  func.func @_phase2_body(%arg0: memref<10000x3xf32, #tpu.memory_space<vmem>>, %arg1: memref<10000x128xf32, #tpu.memory_space<vmem>>, %arg2: memref<10000x1xf32, #tpu.memory_space<vmem>>, %arg3: memref<1x128xf32, #tpu.memory_space<vmem>>, %arg4: memref<1x128xf32, #tpu.memory_space<vmem>>, %arg5: memref<128x3xf32, #tpu.memory_space<vmem>>, %arg6: memref<1x3xf32, #tpu.memory_space<vmem>>, %arg7: memref<1x128xf32, #tpu.memory_space<vmem>>, %arg8: memref<1x128xf32, #tpu.memory_space<vmem>>, %arg9: memref<6x128xf32, #tpu.memory_space<vmem>>, %arg10: memref<1x128xf32, #tpu.memory_space<vmem>>, %arg11: memref<1x128xf32, #tpu.memory_space<vmem>>, %arg12: memref<1x128xf32, #tpu.memory_space<vmem>>, %arg13: memref<128x3xf32, #tpu.memory_space<vmem>>, %arg14: memref<1x3xf32, #tpu.memory_space<vmem>>, %arg15: memref<10000x3xf32, #tpu.memory_space<vmem>>) attributes {dimension_semantics = [], scalar_prefetch = 0 : i64, scratch_operands = 0 : i64, tpu.core_type = #tpu.core_type<tc>} {
    %get3A = arith.constant 0 : index
    %get3A_0 = arith.constant 0 : index
    %get3A_1 = vector.load %arg2[%get3A, %get3A_0] : memref<10000x1xf32, #tpu.memory_space<vmem>>, vector<10000x1xf32>
    %reduce_sum3A = vector.shape_cast %get3A_1 : vector<10000x1xf32> to vector<1x10000x1xf32>
    %reduce_sum3A_2 = arith.constant dense<0.000000e+00> : vector<1xf32>
    %reduce_sum3A_3 = vector.multi_reduction <add>, %reduce_sum3A, %reduce_sum3A_2 [1, 2] : vector<1x10000x1xf32> to vector<1xf32>
    %reduce_sum3A_4 = vector.shape_cast %reduce_sum3A_3 : vector<1xf32> to vector<1x1x1xf32>
    %reduce_sum3A_5 = vector.extract %reduce_sum3A_4[0, 0, 0] : f32 from vector<1x1x1xf32>
    %get3A_6 = arith.constant 0 : index
    %get3A_7 = arith.constant 0 : index
    %get3A_8 = vector.load %arg3[%get3A_6, %get3A_7] : memref<1x128xf32, #tpu.memory_space<vmem>>, vector<1x128xf32>
    %div3A = vector.broadcast %reduce_sum3A_5 : f32 to vector<1x128xf32>
    %div3A_9 = arith.divf %get3A_8, %div3A : vector<1x128xf32>
    %get3A_10 = arith.constant 0 : index
    %get3A_11 = arith.constant 0 : index
    %get3A_12 = vector.load %arg4[%get3A_10, %get3A_11] : memref<1x128xf32, #tpu.memory_space<vmem>>, vector<1x128xf32>
    %div3A_13 = vector.broadcast %reduce_sum3A_5 : f32 to vector<1x128xf32>
    %div3A_14 = arith.divf %get3A_12, %div3A_13 : vector<1x128xf32>
    %mul3A = arith.mulf %div3A_9, %div3A_9 : vector<1x128xf32>
    %sub3A = arith.subf %div3A_14, %mul3A : vector<1x128xf32>
    %get3A_15 = arith.constant 0 : index
    %get3A_16 = arith.constant 0 : index
    %get3A_17 = vector.load %arg7[%get3A_15, %get3A_16] : memref<1x128xf32, #tpu.memory_space<vmem>>, vector<1x128xf32>
    %add3A = arith.constant 9.99999974E-6 : f32
    %add3A_18 = vector.broadcast %add3A : f32 to vector<1x128xf32>
    %add3A_19 = arith.addf %sub3A, %add3A_18 : vector<1x128xf32>
    %rsqrt3A = math.rsqrt %add3A_19 : vector<1x128xf32>
    %mul3A_20 = arith.mulf %get3A_17, %rsqrt3A : vector<1x128xf32>
    %get3A_21 = arith.constant 0 : index
    %get3A_22 = arith.constant 0 : index
    %get3A_23 = vector.load %arg8[%get3A_21, %get3A_22] : memref<1x128xf32, #tpu.memory_space<vmem>>, vector<1x128xf32>
    %mul3A_24 = arith.mulf %div3A_9, %mul3A_20 : vector<1x128xf32>
    %sub3A_25 = arith.subf %get3A_23, %mul3A_24 : vector<1x128xf32>
    %get3A_26 = arith.constant 0 : index
    %get3A_27 = arith.constant 0 : index
    %get3A_28 = vector.load %arg5[%get3A_26, %get3A_27] : memref<128x3xf32, #tpu.memory_space<vmem>>, vector<128x3xf32>
    %dot_general3A = arith.constant dense<0.000000e+00> : vector<1x3xf32>
    %dot_general3A_29 = tpu.matmul %sub3A_25, %get3A_28, %dot_general3A {dimension_numbers = #tpu.dot_dimension_numbers<[1], [0], [0], [1], [0, 0, 1, 1], [], []>, transpose_lhs_hint = false} : vector<1x128xf32>, vector<128x3xf32>, vector<1x3xf32> -> vector<1x3xf32>
    %get3A_30 = arith.constant 0 : index
    %get3A_31 = arith.constant 0 : index
    %get3A_32 = vector.load %arg6[%get3A_30, %get3A_31] : memref<1x3xf32, #tpu.memory_space<vmem>>, vector<1x3xf32>
    %add3A_33 = arith.addf %dot_general3A_29, %get3A_32 : vector<1x3xf32>
    %get3A_34 = arith.constant 0 : index
    %get3A_35 = arith.constant 0 : index
    %get3A_36 = vector.load %arg1[%get3A_34, %get3A_35] : memref<10000x128xf32, #tpu.memory_space<vmem>>, vector<10000x128xf32>
    %mul3A_37 = vector.broadcast %mul3A_20 : vector<1x128xf32> to vector<10000x128xf32>
    %mul3A_38 = arith.mulf %get3A_36, %mul3A_37 : vector<10000x128xf32>
    %get3A_39 = arith.constant 0 : index
    %get3A_40 = arith.constant 0 : index
    %get3A_41 = vector.load %arg5[%get3A_39, %get3A_40] : memref<128x3xf32, #tpu.memory_space<vmem>>, vector<128x3xf32>
    %dot_general3A_42 = arith.constant dense<0.000000e+00> : vector<10000x3xf32>
    %dot_general3A_43 = tpu.matmul %mul3A_38, %get3A_41, %dot_general3A_42 {dimension_numbers = #tpu.dot_dimension_numbers<[1], [0], [0], [1], [0, 0, 1, 1], [], []>, transpose_lhs_hint = false} : vector<10000x128xf32>, vector<128x3xf32>, vector<10000x3xf32> -> vector<10000x3xf32>
    %get3A_44 = arith.constant 0 : index
    %get3A_45 = arith.constant 0 : index
    %get3A_46 = vector.load %arg2[%get3A_44, %get3A_45] : memref<10000x1xf32, #tpu.memory_space<vmem>>, vector<10000x1xf32>
    %mul3A_47 = vector.broadcast %get3A_46 : vector<10000x1xf32> to vector<10000x3xf32>
    %mul3A_48 = vector.broadcast %add3A_33 : vector<1x3xf32> to vector<10000x3xf32>
    %mul3A_49 = arith.mulf %mul3A_47, %mul3A_48 : vector<10000x3xf32>
    %add3A_50 = arith.addf %dot_general3A_43, %mul3A_49 : vector<10000x3xf32>
    %get3A_51 = arith.constant 0 : index
    %get3A_52 = arith.constant 0 : index
    %get3A_53 = vector.load %arg2[%get3A_51, %get3A_52] : memref<10000x1xf32, #tpu.memory_space<vmem>>, vector<10000x1xf32>
    %max3A = arith.constant 1.000000e+00 : f32
    %max3A_54 = vector.broadcast %max3A : f32 to vector<10000x1xf32>
    %max3A_55 = arith.maximumf %get3A_53, %max3A_54 : vector<10000x1xf32>
    %div3A_56 = vector.broadcast %max3A_55 : vector<10000x1xf32> to vector<10000x3xf32>
    %div3A_57 = arith.divf %add3A_50, %div3A_56 : vector<10000x3xf32>
    %get3A_58 = arith.constant 0 : index
    %get3A_59 = arith.constant 0 : index
    %get3A_60 = vector.load %arg9[%get3A_58, %get3A_59] : memref<6x128xf32, #tpu.memory_space<vmem>>, vector<6x128xf32>
    %convert_element_type3A = arith.truncf %get3A_60 : vector<6x128xf32> to vector<6x128xbf16>
    %convert_element_type3A_61 = arith.extf %convert_element_type3A : vector<6x128xbf16> to vector<6x128xf32>
    %get3A_62 = arith.constant 0 : index
    %get3A_63 = arith.constant 0 : index
    %get3A_64 = vector.load %arg0[%get3A_62, %get3A_63] : memref<10000x3xf32, #tpu.memory_space<vmem>>, vector<10000x3xf32>
    %convert_element_type3A_65 = arith.truncf %get3A_64 : vector<10000x3xf32> to vector<10000x3xbf16>
    %convert_element_type3A_66 = arith.extf %convert_element_type3A_65 : vector<10000x3xbf16> to vector<10000x3xf32>
    %slice3A = vector.extract_strided_slice %convert_element_type3A_61 {offsets = [0, 0], sizes = [3, 128], strides = [1, 1]} : vector<6x128xf32> to vector<3x128xf32>
    %dot_general3A_67 = arith.constant dense<0.000000e+00> : vector<10000x128xf32>
    %dot_general3A_68 = tpu.matmul %convert_element_type3A_66, %slice3A, %dot_general3A_67 {dimension_numbers = #tpu.dot_dimension_numbers<[1], [0], [0], [1], [0, 0, 1, 1], [], []>, transpose_lhs_hint = false} : vector<10000x3xf32>, vector<3x128xf32>, vector<10000x128xf32> -> vector<10000x128xf32>
    %convert_element_type3A_69 = arith.truncf %div3A_57 : vector<10000x3xf32> to vector<10000x3xbf16>
    %convert_element_type3A_70 = arith.extf %convert_element_type3A_69 : vector<10000x3xbf16> to vector<10000x3xf32>
    %slice3A_71 = vector.extract_strided_slice %convert_element_type3A_61 {offsets = [3, 0], sizes = [3, 128], strides = [1, 1]} : vector<6x128xf32> to vector<3x128xf32>
    %dot_general3A_72 = arith.constant dense<0.000000e+00> : vector<10000x128xf32>
    %dot_general3A_73 = tpu.matmul %convert_element_type3A_70, %slice3A_71, %dot_general3A_72 {dimension_numbers = #tpu.dot_dimension_numbers<[1], [0], [0], [1], [0, 0, 1, 1], [], []>, transpose_lhs_hint = false} : vector<10000x3xf32>, vector<3x128xf32>, vector<10000x128xf32> -> vector<10000x128xf32>
    %add3A_74 = arith.addf %dot_general3A_68, %dot_general3A_73 : vector<10000x128xf32>
    %get3A_75 = arith.constant 0 : index
    %get3A_76 = arith.constant 0 : index
    %get3A_77 = vector.load %arg10[%get3A_75, %get3A_76] : memref<1x128xf32, #tpu.memory_space<vmem>>, vector<1x128xf32>
    %add3A_78 = vector.broadcast %get3A_77 : vector<1x128xf32> to vector<10000x128xf32>
    %add3A_79 = arith.addf %add3A_74, %add3A_78 : vector<10000x128xf32>
    %max3A_80 = arith.constant 0.000000e+00 : f32
    %max3A_81 = vector.broadcast %max3A_80 : f32 to vector<10000x128xf32>
    %max3A_82 = arith.maximumf %add3A_79, %max3A_81 : vector<10000x128xf32>
    %reduce_sum3A_83 = arith.constant dense<0.000000e+00> : vector<128xf32>
    %reduce_sum3A_84 = vector.multi_reduction <add>, %max3A_82, %reduce_sum3A_83 [0] : vector<10000x128xf32> to vector<128xf32>
    %broadcast_in_dim3A = vector.shape_cast %reduce_sum3A_84 : vector<128xf32> to vector<1x128xf32>
    %div3A_85 = arith.constant 1.000000e+04 : f32
    %div3A_86 = vector.broadcast %div3A_85 : f32 to vector<1x128xf32>
    %div3A_87 = arith.divf %broadcast_in_dim3A, %div3A_86 : vector<1x128xf32>
    %sub3A_88 = vector.broadcast %div3A_87 : vector<1x128xf32> to vector<10000x128xf32>
    %sub3A_89 = arith.subf %max3A_82, %sub3A_88 : vector<10000x128xf32>
    %mul3A_90 = arith.mulf %sub3A_89, %sub3A_89 : vector<10000x128xf32>
    %reduce_sum3A_91 = arith.constant dense<0.000000e+00> : vector<128xf32>
    %reduce_sum3A_92 = vector.multi_reduction <add>, %mul3A_90, %reduce_sum3A_91 [0] : vector<10000x128xf32> to vector<128xf32>
    %broadcast_in_dim3A_93 = vector.shape_cast %reduce_sum3A_92 : vector<128xf32> to vector<1x128xf32>
    %div3A_94 = arith.constant 1.000000e+04 : f32
    %div3A_95 = vector.broadcast %div3A_94 : f32 to vector<1x128xf32>
    %div3A_96 = arith.divf %broadcast_in_dim3A_93, %div3A_95 : vector<1x128xf32>
    %add3A_97 = arith.constant 9.99999974E-6 : f32
    %add3A_98 = vector.broadcast %add3A_97 : f32 to vector<1x128xf32>
    %add3A_99 = arith.addf %div3A_96, %add3A_98 : vector<1x128xf32>
    %rsqrt3A_100 = math.rsqrt %add3A_99 : vector<1x128xf32>
    %mul3A_101 = vector.broadcast %rsqrt3A_100 : vector<1x128xf32> to vector<10000x128xf32>
    %mul3A_102 = arith.mulf %sub3A_89, %mul3A_101 : vector<10000x128xf32>
    %get3A_103 = arith.constant 0 : index
    %get3A_104 = arith.constant 0 : index
    %get3A_105 = vector.load %arg11[%get3A_103, %get3A_104] : memref<1x128xf32, #tpu.memory_space<vmem>>, vector<1x128xf32>
    %mul3A_106 = vector.broadcast %get3A_105 : vector<1x128xf32> to vector<10000x128xf32>
    %mul3A_107 = arith.mulf %mul3A_102, %mul3A_106 : vector<10000x128xf32>
    %get3A_108 = arith.constant 0 : index
    %get3A_109 = arith.constant 0 : index
    %get3A_110 = vector.load %arg12[%get3A_108, %get3A_109] : memref<1x128xf32, #tpu.memory_space<vmem>>, vector<1x128xf32>
    %add3A_111 = vector.broadcast %get3A_110 : vector<1x128xf32> to vector<10000x128xf32>
    %add3A_112 = arith.addf %mul3A_107, %add3A_111 : vector<10000x128xf32>
    %convert_element_type3A_113 = arith.truncf %add3A_112 : vector<10000x128xf32> to vector<10000x128xbf16>
    %convert_element_type3A_114 = arith.extf %convert_element_type3A_113 : vector<10000x128xbf16> to vector<10000x128xf32>
    %get3A_115 = arith.constant 0 : index
    %get3A_116 = arith.constant 0 : index
    %get3A_117 = vector.load %arg13[%get3A_115, %get3A_116] : memref<128x3xf32, #tpu.memory_space<vmem>>, vector<128x3xf32>
    %convert_element_type3A_118 = arith.truncf %get3A_117 : vector<128x3xf32> to vector<128x3xbf16>
    %convert_element_type3A_119 = arith.extf %convert_element_type3A_118 : vector<128x3xbf16> to vector<128x3xf32>
    %dot_general3A_120 = arith.constant dense<0.000000e+00> : vector<10000x3xf32>
    %dot_general3A_121 = tpu.matmul %convert_element_type3A_114, %convert_element_type3A_119, %dot_general3A_120 {dimension_numbers = #tpu.dot_dimension_numbers<[1], [0], [0], [1], [0, 0, 1, 1], [], []>, transpose_lhs_hint = false} : vector<10000x128xf32>, vector<128x3xf32>, vector<10000x3xf32> -> vector<10000x3xf32>
    %get3A_122 = arith.constant 0 : index
    %get3A_123 = arith.constant 0 : index
    %get3A_124 = vector.load %arg14[%get3A_122, %get3A_123] : memref<1x3xf32, #tpu.memory_space<vmem>>, vector<1x3xf32>
    %add3A_125 = vector.broadcast %get3A_124 : vector<1x3xf32> to vector<10000x3xf32>
    %add3A_126 = arith.addf %dot_general3A_121, %add3A_125 : vector<10000x3xf32>
    %swap3A = arith.constant 0 : index
    %swap3A_127 = arith.constant 0 : index
    %swap3A_128 = vector.load %arg15[%swap3A, %swap3A_127] : memref<10000x3xf32, #tpu.memory_space<vmem>>, vector<10000x3xf32>
    tpu.vector_store %arg15[%swap3A, %swap3A_127], %add3A_126 {strides = array<i32>} : memref<10000x3xf32, #tpu.memory_space<vmem>>, vector<10000x3xf32>,
    return
  }
}

</mosaic_0001>

<sc_bundles>
// kernel: gather_offload_async_start.1
scs
__scs_entry_jumppad:
0x0: {  	(pc) =	sbr.rel $0x88, $3  }
0x1: {  	(tag) =	ssettag $0x0;
	lr =	simm.s32 $0x1  }
0x2: {  	[smem:$0x3F93] =	sst lr;
	_ =	strace $0xD0000000  }
0x3: {  	_ = 	snop  }
0x4: {  	_ = 	snop  }
0x5: {  	_ = 	snop  }
0x6: {  	_ = 	snop  }
0x7: {  	_ = 	snop  }
__scs_overlays_trampoline_lowered:
0x8: {  	[smem:$0x3FA2] =	sst s0  }
0x9: {  	[smem:$0x3FA3] =	sst s1  }
0xa: {  	[smem:$0x3FA4] =	sst s2  }
0xb: {  	[smem:$0x3FA5] =	sst s3  }
0xc: {  	[smem:$0x3FA6] =	sst s4  }
0xd: {  	[smem:$0x3FA7] =	sst s5  }
0xe: {  	[smem:$0x3FA8] =	sst s6  }
0xf: {  	[smem:$0x3FA9] =	sst s7  }
0x10: {  	[smem:$0x3FAA] =	sst s8  }
0x11: {  	[smem:$0x3FAB] =	sst s9;
	s0 =	simm.s32 @!p0 $0x0  }
0x12: {  	s1 =	sld [smem:$0x3F91];
	s0 =	simm.s32 @p0 $0x1  }
0x13: {  	[smem:$0x3FAC] =	sst s0;
	s0 =	simm.s32 @!p1 $0x0  }
0x14: {  	s2 =	sld [smem:$0x3F90];
	s0 =	simm.s32 @p1 $0x1  }
0x15: {  	[smem:$0x3FAD] =	sst s0;
	s0 =	simm.s32 @!p2 $0x0  }
0x16: {  	s3 =	sld [smem:$0x3FDB];
	s0 =	simm.s32 @p2 $0x1  }
0x17: {  	s4 =	simm.s32 $0x1BF5;
	[smem:$0x3FAF] =	sst s0  }
0x18: {  	s0 =	sld [smem:$0x3F92];
	_ =	swait.ge [sflag:s4], $0x0  }
0x19: {  	s7 =	sld [smem:$0x3F93]  }
0x1a: {  	s8 =	sadd.s32 $0xFFFFE003, lr  }
0x1b: {  	s9 =	sadd.s32 $0xFFFFFEF7, lr;
	s5 =	simm.s32 $0xFFFFFFFF;
	p2 =	slt.u32 s8, $0xFFFFF086  }
0x1c: {  	p1 =	slt.u32 s9, $0xF7A;
	s5 =	simm.s32 @!p2 $0x0  }
0x1d: {  	s5 =	simm.s32 @p1 $0x1;
	p0 =	seq.s32 s7, s2  }
0x1e: {  	s7 =	smul.u32 @!p0 $0xF7A, s2;
	p2 =	seq.s32 @!p0 s5, $0x0  }
0x1f: {  	s9 =	smul.u32 $0xF7A, s1;
	s8 =	simm.s32 @!p0 $0x1BF5;
	p2 =	por !p2, p0  }
0x20: {  	[sflag:s8] =	ssyncset.s32 @!p0 $0xFFFFF086;
	s6 =	sadd.s32 @!p0 s3, s7;
	s7 =	simm.s32 @!p0 $0x108  }
0x21: {  	s3 =	sadd.s32 s3, s9;
	s6 =	sadd.s32 @!p0 $0x88, s6;
	s7 =	simm.s32 @p2 $0x1082  }
0x22: {  	[simem:s7], [sflag:s8] =	dma.local @!p0 [hbm:s6], $0xF7A  }
0x23: {  	s9 =	sor.u32 $0xD0000000, s2;
	s6 =	simm.s32 $0x108;
	_ =	swait.ge @!p0 [sflag:s8], $0x0  }
0x24: {  	s3 =	sadd.s32 $0x88, s3;
	s6 =	simm.s32 @!p1 $0x1082;
	[sflag:s4] =	ssyncset.s32 $0xFFFFF086  }
0x25: {  	[simem:s6], [sflag:s4] =	dma.local [hbm:s3], $0xF7A  }
0x26: {  	[smem:$0x3F93] =	sst s1;
	(tag) =	ssettag s2;
	_ =	strace s9  }
0x27: {  	s1 =	sld [smem:$0x3FA3]  }
0x28: {  	s2 =	sld [smem:$0x3FA4]  }
0x29: {  	s4 =	sld [smem:$0x3FA6]  }
0x2a: {  	p0 =	seq.s32 s5, $0x0;
	s5 =	sld [smem:$0x3FA7]  }
0x2b: {  	s6 =	sld [smem:$0x3FA8]  }
0x2c: {  	s7 =	sld [smem:$0x3FA9]  }
0x2d: {  	s3 =	simm.s32 $0x108;
	s8 =	sld [smem:$0x3FAA]  }
0x2e: {  	s3 =	simm.s32 @!p0 $0x1082;
	s9 =	sld [smem:$0x3FAB]  }
0x2f: {  	lr =	sadd.s32 s0, s3;
	s0 =	sld [smem:$0x3FA2]  }
0x30: {  	s3 =	sld [smem:$0x3FA5]  }
0x31: {  	[smem:$0x3FAE] =	sst s10  }
0x32: {  	s10 =	sld [smem:$0x3FAC];
	_ =	sdelay $0x3  }
0x33: {  	p0 =	seq.s32 s10, $0x1;
	s10 =	sld [smem:$0x3FAE];
	_ =	sdelay $0x3  }
0x34: {  	[smem:$0x3FAE] =	sst s10  }
0x35: {  	s10 =	sld [smem:$0x3FAD];
	_ =	sdelay $0x3  }
0x36: {  	p1 =	seq.s32 s10, $0x1;
	s10 =	sld [smem:$0x3FAE];
	_ =	sdelay $0x3  }
0x37: {  	[smem:$0x3FAE] =	sst s10  }
0x38: {  	s10 =	sld [smem:$0x3FAF]  }
0x39: {  	_ = 	snop;
	(pc) =	sbr.ind lr, $3  }
0x3a: {  	_ = 	snop  }
0x3b: {  	_ = 	snop  }
0x3c: {  	p2 =	seq.s32 s10, $0x1;
	s10 =	sld [smem:$0x3FAE]  }
0x3d: {  	_ =	shalt  }
0x3e: {  	_ =	shalt  }
0x3f: {  	_ =	shalt  }
0x40: {  	_ =	shalt  }
0x41: {  	_ =	shalt  }
0x42: {  	_ =	shalt  }
0x43: {  	_ =	shalt  }
0x44: {  	_ =	shalt  }
0x45: {  	_ =	shalt  }
0x46: {  	_ =	shalt  }
0x47: {  	_ =	shalt  }
0x48: {  	_ =	shalt  }
0x49: {  	_ =	shalt  }
0x4a: {  	_ =	shalt  }
0x4b: {  	_ =	shalt  }
0x4c: {  	_ =	shalt  }
0x4d: {  	_ =	shalt  }
0x4e: {  	_ =	shalt  }
0x4f: {  	_ =	shalt  }
0x50: {  	_ =	shalt  }
0x51: {  	_ =	shalt  }
0x52: {  	_ =	shalt  }
0x53: {  	_ =	shalt  }
0x54: {  	_ =	shalt  }
0x55: {  	_ =	shalt  }
0x56: {  	_ =	shalt  }
0x57: {  	_ =	shalt  }
0x58: {  	_ =	shalt  }
0x59: {  	_ =	shalt  }
0x5a: {  	_ =	shalt  }
0x5b: {  	_ =	shalt  }
0x5c: {  	_ =	shalt  }
0x5d: {  	_ =	shalt  }
0x5e: {  	_ =	shalt  }
0x5f: {  	_ =	shalt  }
0x60: {  	_ =	shalt  }
0x61: {  	_ =	shalt  }
0x62: {  	_ =	shalt  }
0x63: {  	_ =	shalt  }
0x64: {  	_ =	shalt  }
0x65: {  	_ =	shalt  }
0x66: {  	_ =	shalt  }
0x67: {  	_ =	shalt  }
0x68: {  	_ =	shalt  }
0x69: {  	_ =	shalt  }
0x6a: {  	_ =	shalt  }
0x6b: {  	_ =	shalt  }
0x6c: {  	_ =	shalt  }
0x6d: {  	_ =	shalt  }
0x6e: {  	_ =	shalt  }
0x6f: {  	_ =	shalt  }
0x70: {  	_ =	shalt  }
0x71: {  	_ =	shalt  }
0x72: {  	_ =	shalt  }
0x73: {  	_ =	shalt  }
0x74: {  	_ =	shalt  }
0x75: {  	_ =	shalt  }
0x76: {  	_ =	shalt  }
0x77: {  	_ =	shalt  }
0x78: {  	_ =	shalt  }
0x79: {  	_ =	shalt  }
0x7a: {  	_ =	shalt  }
0x7b: {  	_ =	shalt  }
0x7c: {  	_ =	shalt  }
0x7d: {  	_ =	shalt  }
0x7e: {  	_ =	shalt  }
0x7f: {  	_ =	shalt  }
0x80: {  	_ =	shalt  }
0x81: {  	_ =	shalt  }
0x82: {  	_ =	shalt  }
0x83: {  	_ =	shalt  }
0x84: {  	_ =	shalt  }
0x85: {  	_ =	shalt  }
0x86: {  	_ =	shalt  }
0x87: {  	_ =	shalt  }
.Lfunc_end0:
.L_simem_size_0:
called_computation.1_lowered:
.L_overlay_start_0:
0x88: {  	s0 =	sld [smem:$0x3FD9]  }
0x89: {  	s1 =	sld [smem:$0x3FFE];
	_ =	sdelay $0x3  }
0x8a: {  	s0 =	sadd.s32 s1, s0  }
0x8b: {  	[smem:$0x3FBA] =	sst s0  }
0x8c: {  	_ = 	snop  }
0x8d: {  	s0 =	sld [smem:$0x3FC8]  }
0x8e: {  	s16 =	sld [smem:$0x3FD0];
	(tm) =	ssettm $0x1  }
0x8f: {  	s2 =	sld [smem:$0x3FFB];
	_ =	sdelay $0x3  }
0x90: {  	_ =	strace s2  }
0x91: {  	s2 =	sld [smem:$0x3FFC];
	_ =	sdelay $0x3  }
0x92: {  	_ =	strace s2  }
0x93: {  	s2 =	sld [smem:$0x3FFD];
	_ =	sdelay $0x3  }
0x94: {  	_ =	strace s2  }
0x95: {  	_ =	strace $0x8FFFFFFF  }
0x96: {  	s17 =	sld [smem:$0x3FDB];
	_ =	sdelay $0x1  }
0x97: {  	s3 =	simm.s32 $_scs_section_size  }
0x98: {  	s4 =	simm.s32 $_size__tile_overlayer_lowered;
	s5 =	simm.s32 $_tile_overlayer_lowered  }
0x99: {  	s20 =	simm.s32 $0x1BFF;
	s19 =	sshll.u32 s5, $0x1;
	s2 =	sadd.s32 s3, s17  }
0x9a: {  	s6 =	simm.s32 $0x0;
	s18 =	sshll.u32 s4, $0x1;
	s4 =	sadd.s32 s19, s2  }
0x9b: {  	[timem:s6], [sflag:s20] =	dma.local [hbm:s4], s18  }
0x9c: {  	_ =	swait.ge [sflag:s20], s18  }
0x9d: {  	s3 =	ssub.s32 $0x0, s18;
	[sflag:s20] =	ssyncset.done $0x0  }
0x9e: {  	[sflag:s20] =	ssyncadd.s32 s3;
	_ =	sdelay $0x1  }
0x9f: {  	s21 =	simm.s32 $0x1B8B  }
0xa0: {  	_ =	swait.ge [sflag:s21], $0x1  }
0xa1: {  	[sflag:s21] =	ssyncset.done $0x0  }
0xa2: {  	s23 =	simm.s32 $0x1B8E;
	s22 =	sld [smem:$0x3FFE];
	[sflag:s21] =	ssyncadd.s32 $0xFFFFFFFF  }
0xa3: {  	s24 =	simm.s32 $execute0_lowered;
	[smem:$0x3FD2] =	sst s23  }
0xa4: {  	s4 =	sshll.u32 s24, $0x1;
	_ =	strace $0x80000046;
	[dreg:$0x1] =	wrdreg $0xFFFFFFFF  }
0xa5: {  	s25 =	simm.s32 $_size_execute0_lowered;
	s2 =	sadd.s32 s2, s4;
	[dreg:$0x0] =	wrdreg $0x0  }
0xa6: {  	s4 =	sshll.u32 s25, $0x1;
	[dreg:$0x2] =	wrdreg s2  }
0xa7: {  	[dreg:$0x3] =	wrdreg s4  }
0xa8: {  	[dreg:$0x4] =	wrdreg $0xC0  }
0xa9: {  	_ =	task [dreg:s6], $0x5FFFF  }
0xaa: {  	[dreg:$0x1] =	wrdreg $0xFFFFFFFF  }
0xab: {  	[dreg:$0x0] =	wrdreg $0x60  }
0xac: {  	[dreg:$0x2] =	wrdreg s0  }
0xad: {  	[dreg:$0x3] =	wrdreg s16  }
0xae: {  	[dreg:$0x4] =	wrdreg s22  }
0xaf: {  	[dreg:$0x5] =	wrdreg $0xA  }
0xb0: {  	_ =	task.clear_ibuf [dreg:s6], $0x6FFFF;
	_ =	strace $0x90000046  }
0xb1: {  	s26 =	simm.s32 $0xA;
	_ =	strace $0x80000048  }
0xb2: {  	_ =	swait.ge [sflag:s26], $0x1  }
0xb3: {  	[sflag:s26] =	ssyncadd.s32 $0xFFFFFFFF  }
0xb4: {  	_ =	strace $0x90000048  }
0xb5: {  	_ =	sfence  }
0xb6: {  	s28 =	sld [smem:$0x0];
	_ =	sdelay $0x1  }
0xb7: {  	s29 =	srdreg.scid  }
0xb8: {  	s30 =	sshll.u32 s29, $0xD;
	s31 =	sshrl.u32 s29, $0x2  }
0xb9: {  	s1 =	sand.u32 $0x1, s29;
	s2 =	sand.u32 $0x4000, s30;
	s0 =	sadd.s32 s31, s28  }
0xba: {  	s1 =	sor.u32 s2, s1;
	s0 =	sshll.u32 s0, $0x11  }
0xbb: {  	s0 =	sor.u32 s0, s1  }
0xbc: {  	s0 =	sadd.s32 $0x8F2B, s0  }
0xbd: {  	[sflag:s0] =	ssyncadd.remote.s32 $0x1  }
0xbe: {  	_ =	sfence.sel $0xFFFF  }
0xbf: {  	[dreg:$0x0] =	wrdreg $0xFFFFFFFF;
	(pc) =	sbr.abs _section_cstart, $3  }
0xc0: {  	[dreg:$0x1] =	wrdreg $0xFFFFFFFF  }
0xc1: {  	_ =	task.clear_ibuf [dreg:s6], $0x2FFFF;
	_ =	strace $0x9FFFFFFF  }
0xc2: {  	(tm) =	ssettm $0x7FFFFFFF  }
0xc3: {  	_ =	shalt  }
tec
execute0_lowered:
.L_overlay_start_1:
0x0: {  	(tag) =	ssettag $0x1  }
0x1: {  	s2 =	rddreg [dreg:$0x0]  }
0x2: {  	s3 =	rddreg [dreg:$0x1]  }
0x3: {  	s8 =	rddreg [dreg:$0x2]  }
0x4: {  	s0 =	rddreg [dreg:$0x3];
	_ =	strace $0x80000047;
	s4 =	simm.s32 $0x1  }
0x5: {  	s1 =	stileid.u32;
	s7 =	simm.s32 $0x1;
	s9 =	simm.s32 $0x1  }
0x6: {  	s6 =	simm.s32 $0x2;
	s10 =	simm.s32 $0x3;
	s13 =	simm.s32 $0x0  }
.Ltmp0:
0x7: {  	s12 =	simm.s32 $0x0;
	p0 =	slt.u32 s1, $0xA;
	(pc) =	sbr.rel .LBB2_1-.Ltmp0, $4  }
0x8: {  	[sflag:s4] =	ssyncpa.u1 $0x0;
	s7 =	simm.s32 @!p0 $0x0;
	p0 =	sne.s32 s1, $0x9  }
0x9: {  	s5 =	smul.u32 $0x190, s1;
	[sflag:s6] =	ssyncpa.u1 $0x0;
	s9 =	simm.s32 @!p0 $0x0  }
0xa: {  	s8 =	sadd.s32 $0x27200, s8;
	[sflag:s10] =	ssyncpa.u1 $0x0;
	s7 =	sadd.s32 s9, s7  }
0xb: {  	vm0 =	vmmov $0xffff;
	s10 =	simm.s32 $0x0;
	s11 =	smov.u32 s5;
	s9 =	sadd.s32 $0x1, s7  }
.LBB2_4:
0xc: {  	v2 =	vnsel vm1, $0x0, v2  }
0xd: {  	vm1 =	vgt.s32 v0, $0x0;
	v2 =	vmin.u32 v2, $0x270F  }
0xe: {  	v0 =	vnsel vm1, $0x0, v0  }
0xf: {  	v0 =	vmin.u32 v0, $0x270F  }
0x10: {  	[tilespmem:s18], [sflag:$0x1] =	stream.indirect_vreg.gather [hbm4b:s2+s10], $0x1, v1, vm0, $0x4038;
	[tilespmem:$0x640] =	vst v63  }
0x11: {  	(ifvalue) =	ssetifvalue $0x7FFFFFFF  }
0x12: {  	[tilespmem:s15], [sflag:$0x1] =	stream.indirect_vreg.gather [hbm4b:s2+s10], $0x1, v2, vm0, $0x4038;
	[tilespmem:$0x640] =	vst v63  }
0x13: {  	s29 =	sadd.s32 $0x10, s15;
	(ifvalue) =	ssetifvalue $0x7FFFFFFF  }
0x14: {  	[tilespmem:s29], [sflag:$0x1] =	stream.indirect_vreg.gather [hbm4b:s2+s10], $0x1, v0, vm0, $0x4038;
	[tilespmem:$0x640] =	vst v63  }
0x15: {  	_ =	swait.ge [sflag:s4], $0x190  }
0x16: {  	s30 =	sshrl.u32 s13, $0x3;
	[sflag:s4] =	ssyncset.done $0x0  }
0x17: {  	s31 =	sand.u32 $0x7, s13;
	s15 =	sadd.s32 s8, s30;
	[sflag:s4] =	ssyncadd.s32 $0xFFFFFE70  }
0x18: {  	[hbm4b:s15+s31] =	stream.linear.scatter [tilespmem:s14], [sflag:$0x3], $0x190, $0x38;
	[tilespmem:$0x640] =	vst v63  }
.LBB2_5:
0x19: {  	s15 =	sadd.s32 $0x1900, s11  }
0x1a: {  	p1 =	sgt.s32 s15, $0x270F  }
0x1b: {  	s15 =	smov.u32 @p1 s5;
	p1 =	sne.s32 s12, s9  }
.Ltmp1:
0x1c: {  	p0 =	slt.u32 s12, $0x2;
	(pc) =	sbr.rel @!p1 .LBB2_6-.Ltmp1, $4  }
0x1d: {  	s14 =	simm.s32 @!p0 $0x3  }
0x1e: {  	_ =	swait.ge @!p0 [sflag:s14], $0x190  }
0x1f: {  	s16 =	sadd.s32 $0x1, s12;
	s13 =	smov.u32 s11;
	[sflag:s14] =	ssyncset.done @!p0 $0x0  }
0x20: {  	s12 =	smov.u32 s16;
	s11 =	smov.u32 s15;
	[sflag:s14] =	ssyncadd.s32 @!p0 $0xFFFFFE70  }
.LBB2_1:
0x21: {  	p0 =	sge.u32 s12, s7  }
0x22: {  	s14 =	sxor.u32 @!p0 $0x1, s12  }
0x23: {  	s14 =	smul.u32 @!p0 $0x640, s14  }
0x24: {  	s31 =	sadd.s32 $0xFFFFFFFF, s12;
	s15 =	sshrl.u32 @!p0 s11, $0x3  }
0x25: {  	s16 =	sand.u32 @!p0 $0x7, s11;
	s15 =	sadd.s32 @!p0 s3, s15;
	s14 =	sshra.s32 @!p0 s14, $0x2  }
0x26: {  	[tilespmem:s14], [sflag:$0x2] =	stream.linear.gather @!p0 [hbm4b:s15+s16], $0x190, $0x38;
	[tilespmem:$0x640] =	vst v63  }
0x27: {  	p0 =	sge.u32 s31, s7  }
.Ltmp2:
0x28: {  	_ = 	snop;
	(pc) =	sbr.rel @p0 .LBB2_5-.Ltmp2, $1  }
0x29: {  	_ =	sdelay $0x3  }
0x2a: {  	s14 =	sand.u32 $0x1, s12  }
0x2b: {  	_ =	swait.ge [sflag:s6], $0x190;
	p0 =	seq.s32 s14, $0x1;
	s14 =	simm.s32 $0x190  }
0x2c: {  	[sflag:s6] =	ssyncset.done $0x0;
	s14 =	simm.s32 @!p0 $0x0  }
0x2d: {  	[sflag:s6] =	ssyncadd.s32 $0xFFFFFE70;
	(ifvalue) =	ssetifvalue $0x7FFFFFFF;
	v0 =	vld.msk [tilespmem:s14+$0x0 ss:$0x1], $0xffff;
	_ =	sdelay $0x4  }
0x2e: {  	s15 =	sadd.s32 $0x10, s14;
	vm1 =	vgt.s32 v0, $0x0  }
0x2f: {  	v2 =	vld.msk [tilespmem:s15+$0x0 ss:$0x1], $0xffff;
	v1 =	vnsel vm1, $0x0, v0  }
0x30: {  	v1 =	vmin.u32 v1, $0x270F;
	_ =	sdelay $0x2  }
0x31: {  	s17 =	simm.s32 $0x20;
	s14 =	sadd.s32 $0x320, s14;
	s16 =	sadd.s32 $0x10, s15  }
0x32: {  	s15 =	sadd.s32 $0x10, s14;
	s18 =	smov.u32 s14;
	v0 =	vld.msk [tilespmem:s16+$0x0 ss:$0x1], $0xffff;
	vm1 =	vgt.s32 v2, $0x0;
	(ifvalue) =	ssetifvalue $0x7FFFFFFF  }
.LBB2_3:
0x33: {  	[tilespmem:s18], [sflag:$0x1] =	stream.indirect_vreg.gather [hbm4b:s2+s10], $0x1, v1, vm0, $0x4038;
	[tilespmem:$0x640] =	vst v63  }
0x34: {  	s17 =	sadd.s32 $0x10, s17  }
0x35: {  	v2 =	vnsel vm1, $0x0, v2;
	p0 =	slt.u32 s17, $0x180  }
.Ltmp3:
0x36: {  	s18 =	smov.u32 s15;
	v1 =	vmin.u32 v2, $0x270F;
	(pc) =	sbr.rel @p0 .LBB2_3-.Ltmp3, $3  }
0x37: {  	_ =	sdelay $0x1  }
0x38: {  	s16 =	sadd.s32 $0x10, s16  }
0x39: {  	vm1 =	vgt.s32 v0, $0x0;
	s15 =	sadd.s32 $0x10, s15;
	v2 =	vmov v0;
	(ifvalue) =	ssetifvalue $0x7FFFFFFF;
	v0 =	vld.msk [tilespmem:s16+$0x0 ss:$0x1], $0xffff  }
.Ltmp4:
0x3a: {  	_ = 	snop;
	(pc) =	sbr.rel .LBB2_4-.Ltmp4, $1  }
0x3b: {  	_ =	sdelay $0x3  }
.LBB2_6:
0x3c: {  	_ =	sfence.sel $0x180000  }
0x3d: {  	s2 =	simm.s32 $0x2;
	[bflag:$0x0] =	sbarrier.arrive $0xFFFF  }
0x3e: {  	s30 =	simm.s32 $0x3;
	[sflag:s2] =	ssyncpa.u1 $0x1  }
0x3f: {  	s31 =	simm.s32 $0x1;
	[sflag:s30] =	ssyncpa.u1 $0x1  }
0x40: {  	[sflag:s31] =	ssyncpa.u1 $0x1  }
0x41: {  	p0 =	sne.s32 s1, $0x0;
	_ =	strace $0x90000047  }
0x42: {  	s0 =	sadd.s32 @!p0 $0x100000, s0;
	[bflag:$0x2] =	sbarrier.arrive $0xFFFF  }
0x43: {  	[sflag:s0] =	ssyncadd.tile.s32 @!p0 $0x1;
	_ =	shalt  }
.Lfunc_end2:
_tile_overlayer_lowered:
.L_overlay_start_2:
0x44: {  	(tag) =	ssettag $0x2  }
0x45: {  	s0 =	rddreg [dreg:$0x0];
	s2 =	stileid.u32  }
0x46: {  	s1 =	rddreg [dreg:$0x1];
	p0 =	sne.s32 s2, $0x0  }
0x47: {  	s3 =	rddreg [dreg:$0x2];
	[bflag:$0x3] =	sbarrier.arrive $0xFFFF;
	s2 =	simm.s32 @!p0 $0x1C01  }
0x48: {  	[timem:s3], [sflag:s2] =	dma.local @!p0 [hbm:s0], s1  }
0x49: {  	s0 =	simm.s32 @!p0 $0x1  }
0x4a: {  	_ =	swait.ge @!p0 [sflag:s0], s1  }
0x4b: {  	s1 =	ssub.s32 @!p0 $0x0, s1;
	[sflag:s0] =	ssyncset.done @!p0 $0x0  }
0x4c: {  	[sflag:s0] =	ssyncadd.s32 @!p0 s1  }
0x4d: {  	[bflag:$0x3] =	sbarrier.arrive $0xFFFF  }
0x4e: {  	_ =	shalt  }

// kernel: gather_offload_async_start.2
scs
__scs_entry_jumppad:
0x0: {  	(pc) =	sbr.rel $0x88, $3  }
0x1: {  	(tag) =	ssettag $0x0;
	lr =	simm.s32 $0x1  }
0x2: {  	[smem:$0x3F93] =	sst lr;
	_ =	strace $0xD0000000  }
0x3: {  	_ = 	snop  }
0x4: {  	_ = 	snop  }
0x5: {  	_ = 	snop  }
0x6: {  	_ = 	snop  }
0x7: {  	_ = 	snop  }
__scs_overlays_trampoline_lowered:
0x8: {  	[smem:$0x3FA2] =	sst s0  }
0x9: {  	[smem:$0x3FA3] =	sst s1  }
0xa: {  	[smem:$0x3FA4] =	sst s2  }
0xb: {  	[smem:$0x3FA5] =	sst s3  }
0xc: {  	[smem:$0x3FA6] =	sst s4  }
0xd: {  	[smem:$0x3FA7] =	sst s5  }
0xe: {  	[smem:$0x3FA8] =	sst s6  }
0xf: {  	[smem:$0x3FA9] =	sst s7  }
0x10: {  	[smem:$0x3FAA] =	sst s8  }
0x11: {  	[smem:$0x3FAB] =	sst s9;
	s0 =	simm.s32 @!p0 $0x0  }
0x12: {  	s1 =	sld [smem:$0x3F91];
	s0 =	simm.s32 @p0 $0x1  }
0x13: {  	[smem:$0x3FAC] =	sst s0;
	s0 =	simm.s32 @!p1 $0x0  }
0x14: {  	s2 =	sld [smem:$0x3F90];
	s0 =	simm.s32 @p1 $0x1  }
0x15: {  	[smem:$0x3FAD] =	sst s0;
	s0 =	simm.s32 @!p2 $0x0  }
0x16: {  	s3 =	sld [smem:$0x3FDB];
	s0 =	simm.s32 @p2 $0x1  }
0x17: {  	s4 =	simm.s32 $0x1BF5;
	[smem:$0x3FAF] =	sst s0  }
0x18: {  	s0 =	sld [smem:$0x3F92];
	_ =	swait.ge [sflag:s4], $0x0  }
0x19: {  	s7 =	sld [smem:$0x3F93]  }
0x1a: {  	s8 =	sadd.s32 $0xFFFFE003, lr  }
0x1b: {  	s9 =	sadd.s32 $0xFFFFFEF7, lr;
	s5 =	simm.s32 $0xFFFFFFFF;
	p2 =	slt.u32 s8, $0xFFFFF086  }
0x1c: {  	p1 =	slt.u32 s9, $0xF7A;
	s5 =	simm.s32 @!p2 $0x0  }
0x1d: {  	s5 =	simm.s32 @p1 $0x1;
	p0 =	seq.s32 s7, s2  }
0x1e: {  	s7 =	smul.u32 @!p0 $0xF7A, s2;
	p2 =	seq.s32 @!p0 s5, $0x0  }
0x1f: {  	s9 =	smul.u32 $0xF7A, s1;
	s8 =	simm.s32 @!p0 $0x1BF5;
	p2 =	por !p2, p0  }
0x20: {  	[sflag:s8] =	ssyncset.s32 @!p0 $0xFFFFF086;
	s6 =	sadd.s32 @!p0 s3, s7;
	s7 =	simm.s32 @!p0 $0x108  }
0x21: {  	s3 =	sadd.s32 s3, s9;
	s6 =	sadd.s32 @!p0 $0x88, s6;
	s7 =	simm.s32 @p2 $0x1082  }
0x22: {  	[simem:s7], [sflag:s8] =	dma.local @!p0 [hbm:s6], $0xF7A  }
0x23: {  	s9 =	sor.u32 $0xD0000000, s2;
	s6 =	simm.s32 $0x108;
	_ =	swait.ge @!p0 [sflag:s8], $0x0  }
0x24: {  	s3 =	sadd.s32 $0x88, s3;
	s6 =	simm.s32 @!p1 $0x1082;
	[sflag:s4] =	ssyncset.s32 $0xFFFFF086  }
0x25: {  	[simem:s6], [sflag:s4] =	dma.local [hbm:s3], $0xF7A  }
0x26: {  	[smem:$0x3F93] =	sst s1;
	(tag) =	ssettag s2;
	_ =	strace s9  }
0x27: {  	s1 =	sld [smem:$0x3FA3]  }
0x28: {  	s2 =	sld [smem:$0x3FA4]  }
0x29: {  	s4 =	sld [smem:$0x3FA6]  }
0x2a: {  	p0 =	seq.s32 s5, $0x0;
	s5 =	sld [smem:$0x3FA7]  }
0x2b: {  	s6 =	sld [smem:$0x3FA8]  }
0x2c: {  	s7 =	sld [smem:$0x3FA9]  }
0x2d: {  	s3 =	simm.s32 $0x108;
	s8 =	sld [smem:$0x3FAA]  }
0x2e: {  	s3 =	simm.s32 @!p0 $0x1082;
	s9 =	sld [smem:$0x3FAB]  }
0x2f: {  	lr =	sadd.s32 s0, s3;
	s0 =	sld [smem:$0x3FA2]  }
0x30: {  	s3 =	sld [smem:$0x3FA5]  }
0x31: {  	[smem:$0x3FAE] =	sst s10  }
0x32: {  	s10 =	sld [smem:$0x3FAC];
	_ =	sdelay $0x3  }
0x33: {  	p0 =	seq.s32 s10, $0x1;
	s10 =	sld [smem:$0x3FAE];
	_ =	sdelay $0x3  }
0x34: {  	[smem:$0x3FAE] =	sst s10  }
0x35: {  	s10 =	sld [smem:$0x3FAD];
	_ =	sdelay $0x3  }
0x36: {  	p1 =	seq.s32 s10, $0x1;
	s10 =	sld [smem:$0x3FAE];
	_ =	sdelay $0x3  }
0x37: {  	[smem:$0x3FAE] =	sst s10  }
0x38: {  	s10 =	sld [smem:$0x3FAF]  }
0x39: {  	_ = 	snop;
	(pc) =	sbr.ind lr, $3  }
0x3a: {  	_ = 	snop  }
0x3b: {  	_ = 	snop  }
0x3c: {  	p2 =	seq.s32 s10, $0x1;
	s10 =	sld [smem:$0x3FAE]  }
0x3d: {  	_ =	shalt  }
0x3e: {  	_ =	shalt  }
0x3f: {  	_ =	shalt  }
0x40: {  	_ =	shalt  }
0x41: {  	_ =	shalt  }
0x42: {  	_ =	shalt  }
0x43: {  	_ =	shalt  }
0x44: {  	_ =	shalt  }
0x45: {  	_ =	shalt  }
0x46: {  	_ =	shalt  }
0x47: {  	_ =	shalt  }
0x48: {  	_ =	shalt  }
0x49: {  	_ =	shalt  }
0x4a: {  	_ =	shalt  }
0x4b: {  	_ =	shalt  }
0x4c: {  	_ =	shalt  }
0x4d: {  	_ =	shalt  }
0x4e: {  	_ =	shalt  }
0x4f: {  	_ =	shalt  }
0x50: {  	_ =	shalt  }
0x51: {  	_ =	shalt  }
0x52: {  	_ =	shalt  }
0x53: {  	_ =	shalt  }
0x54: {  	_ =	shalt  }
0x55: {  	_ =	shalt  }
0x56: {  	_ =	shalt  }
0x57: {  	_ =	shalt  }
0x58: {  	_ =	shalt  }
0x59: {  	_ =	shalt  }
0x5a: {  	_ =	shalt  }
0x5b: {  	_ =	shalt  }
0x5c: {  	_ =	shalt  }
0x5d: {  	_ =	shalt  }
0x5e: {  	_ =	shalt  }
0x5f: {  	_ =	shalt  }
0x60: {  	_ =	shalt  }
0x61: {  	_ =	shalt  }
0x62: {  	_ =	shalt  }
0x63: {  	_ =	shalt  }
0x64: {  	_ =	shalt  }
0x65: {  	_ =	shalt  }
0x66: {  	_ =	shalt  }
0x67: {  	_ =	shalt  }
0x68: {  	_ =	shalt  }
0x69: {  	_ =	shalt  }
0x6a: {  	_ =	shalt  }
0x6b: {  	_ =	shalt  }
0x6c: {  	_ =	shalt  }
0x6d: {  	_ =	shalt  }
0x6e: {  	_ =	shalt  }
0x6f: {  	_ =	shalt  }
0x70: {  	_ =	shalt  }
0x71: {  	_ =	shalt  }
0x72: {  	_ =	shalt  }
0x73: {  	_ =	shalt  }
0x74: {  	_ =	shalt  }
0x75: {  	_ =	shalt  }
0x76: {  	_ =	shalt  }
0x77: {  	_ =	shalt  }
0x78: {  	_ =	shalt  }
0x79: {  	_ =	shalt  }
0x7a: {  	_ =	shalt  }
0x7b: {  	_ =	shalt  }
0x7c: {  	_ =	shalt  }
0x7d: {  	_ =	shalt  }
0x7e: {  	_ =	shalt  }
0x7f: {  	_ =	shalt  }
0x80: {  	_ =	shalt  }
0x81: {  	_ =	shalt  }
0x82: {  	_ =	shalt  }
0x83: {  	_ =	shalt  }
0x84: {  	_ =	shalt  }
0x85: {  	_ =	shalt  }
0x86: {  	_ =	shalt  }
0x87: {  	_ =	shalt  }
.Lfunc_end0:
.L_simem_size_0:
called_computation.2_lowered:
.L_overlay_start_0:
0x88: {  	s0 =	sld [smem:$0x3FD9]  }
0x89: {  	s1 =	sld [smem:$0x3FFE];
	_ =	sdelay $0x3  }
0x8a: {  	s0 =	sadd.s32 s1, s0  }
0x8b: {  	[smem:$0x3FBA] =	sst s0  }
0x8c: {  	_ = 	snop  }
0x8d: {  	(tm) =	ssettm $0x1  }
0x8e: {  	s15 =	sld [smem:$0x3FFB];
	_ =	sdelay $0x3  }
0x8f: {  	_ =	strace s15  }
0x90: {  	s0 =	sld [smem:$0x3FFC];
	_ =	sdelay $0x3  }
0x91: {  	_ =	strace s0  }
0x92: {  	s0 =	sld [smem:$0x3FFD];
	_ =	sdelay $0x3  }
0x93: {  	_ =	strace s0  }
0x94: {  	_ =	strace $0x8FFFFFFF  }
0x95: {  	s16 =	sld [smem:$0x3FDB];
	_ =	sdelay $0x1  }
0x96: {  	s17 =	simm.s32 $_scs_section_size  }
0x97: {  	s2 =	simm.s32 $_size__tile_overlayer_lowered;
	s3 =	simm.s32 $_tile_overlayer_lowered  }
0x98: {  	s20 =	simm.s32 $0x1BFF;
	s19 =	sshll.u32 s3, $0x1;
	s0 =	sadd.s32 s17, s16  }
0x99: {  	s4 =	simm.s32 $0x0;
	s18 =	sshll.u32 s2, $0x1;
	s2 =	sadd.s32 s19, s0  }
0x9a: {  	[timem:s4], [sflag:s20] =	dma.local [hbm:s2], s18  }
0x9b: {  	_ =	swait.ge [sflag:s20], s18  }
0x9c: {  	s1 =	ssub.s32 $0x0, s18;
	[sflag:s20] =	ssyncset.done $0x0  }
0x9d: {  	[sflag:s20] =	ssyncadd.s32 s1;
	_ =	sdelay $0x1  }
0x9e: {  	s21 =	simm.s32 $0x1B8B  }
0x9f: {  	_ =	swait.ge [sflag:s21], $0x1  }
0xa0: {  	[sflag:s21] =	ssyncset.done $0x0  }
0xa1: {  	s23 =	simm.s32 $0x1B8E;
	s22 =	sld [smem:$0x3FFE];
	[sflag:s21] =	ssyncadd.s32 $0xFFFFFFFF  }
0xa2: {  	s24 =	simm.s32 $execute0_lowered;
	[smem:$0x3FD2] =	sst s23  }
0xa3: {  	s2 =	sshll.u32 s24, $0x1;
	_ =	strace $0x8000004C;
	[dreg:$0x1] =	wrdreg $0xFFFFFFFF  }
0xa4: {  	s25 =	simm.s32 $_size_execute0_lowered;
	s0 =	sadd.s32 s0, s2;
	[dreg:$0x0] =	wrdreg $0x0  }
0xa5: {  	s2 =	sshll.u32 s25, $0x1;
	[dreg:$0x2] =	wrdreg s0  }
0xa6: {  	[dreg:$0x3] =	wrdreg s2  }
0xa7: {  	[dreg:$0x4] =	wrdreg $0xC0  }
0xa8: {  	_ =	task [dreg:s4], $0x5FFFF  }
0xa9: {  	[dreg:$0x1] =	wrdreg $0xFFFFFFFF  }
0xaa: {  	[dreg:$0x0] =	wrdreg $0x60  }
0xab: {  	[dreg:$0x2] =	wrdreg s22  }
0xac: {  	[dreg:$0x3] =	wrdreg $0x9  }
0xad: {  	_ =	task.clear_ibuf [dreg:s4], $0x4FFFF;
	_ =	strace $0x9000004C  }
0xae: {  	s26 =	simm.s32 $0x9;
	_ =	strace $0x8000004E  }
0xaf: {  	_ =	swait.ge [sflag:s26], $0x1  }
0xb0: {  	[sflag:s26] =	ssyncadd.s32 $0xFFFFFFFF  }
0xb1: {  	_ =	strace $0x9000004E  }
0xb2: {  	_ =	sfence  }
0xb3: {  	s28 =	sld [smem:$0x0];
	_ =	sdelay $0x1  }
0xb4: {  	s29 =	srdreg.scid  }
0xb5: {  	s30 =	sshll.u32 s29, $0xD;
	s31 =	sshrl.u32 s29, $0x2  }
0xb6: {  	s1 =	sand.u32 $0x1, s29;
	s2 =	sand.u32 $0x4000, s30;
	s0 =	sadd.s32 s31, s28  }
0xb7: {  	s1 =	sor.u32 s2, s1;
	s0 =	sshll.u32 s0, $0x11  }
0xb8: {  	s0 =	sor.u32 s0, s1  }
0xb9: {  	s0 =	sadd.s32 $0x8F2B, s0  }
0xba: {  	[sflag:s0] =	ssyncadd.remote.s32 $0x1  }
0xbb: {  	_ =	sfence.sel $0xFFFF  }
0xbc: {  	[dreg:$0x0] =	wrdreg $0xFFFFFFFF;
	(pc) =	sbr.abs _section_cstart, $3  }
0xbd: {  	[dreg:$0x1] =	wrdreg $0xFFFFFFFF  }
0xbe: {  	_ =	task.clear_ibuf [dreg:s4], $0x2FFFF;
	_ =	strace $0x9FFFFFFF  }
0xbf: {  	(tm) =	ssettm $0x7FFFFFFF  }
tec
execute0_lowered:
.L_overlay_start_1:
0x0: {  	(tag) =	ssettag $0x1  }
0x1: {  	s0 =	stileid.u32  }
0x2: {  	s1 =	smin.u32 s0, $0x9  }
0x3: {  	s1 =	sadd.s32 s0, s1  }
0x4: {  	s2 =	simm.s32 $0x320;
	p0 =	slt.u32 s0, $0x9;
	s1 =	smul.u32 $0x190, s1  }
0x5: {  	s2 =	simm.s32 @!p0 $0x190  }
0x6: {  	s2 =	sadd.s32 s2, s1  }
0x7: {  	s3 =	smin.u32 s2, $0x2710  }
0x8: {  	s7 =	ssub.s32 s3, s1  }
0x9: {  	p0 =	sgt.s32 s7, $0x0  }
0xa: {  	s7 =	simm.s32 @!p0 $0x0  }
0xb: {  	s31 =	sand.u32 $0xFFF0, s7  }
0xc: {  	s2 =	sshrl.u32 s31, $0x4  }
0xd: {  	s2 =	smul.u32 $0xA3E, s2  }
0xe: {  	s4 =	rddreg [dreg:$0x0];
	s6 =	simm.s32 $0x1  }
0xf: {  	s10 =	simm.s32 $0x3;
	s13 =	simm.s32 $0x0;
	s8 =	sshrl.u32 s2, $0x10  }
0x10: {  	s12 =	simm.s32 $0x0;
	s5 =	sadd.s32 $0x4EA00, s4;
	s9 =	smul.u32 $0x190, s8  }
.Ltmp0:
0x11: {  	s11 =	smov.u32 s1;
	s2 =	rddreg [dreg:$0x1];
	(pc) =	sbr.rel .LBB2_1-.Ltmp0, $4  }
0x12: {  	_ =	strace $0x8000004D;
	p0 =	sne.s32 s7, s9;
	s9 =	simm.s32 $0x1  }
0x13: {  	[sflag:s6] =	ssyncpa.u1 $0x0;
	s7 =	simm.s32 $0x2;
	s9 =	simm.s32 @!p0 $0x0  }
0x14: {  	[sflag:s7] =	ssyncpa.u1 $0x0;
	p0 =	por $0x0, $0x0;
	s8 =	sadd.s32 s8, s9  }
0x15: {  	vm0 =	vmmov $0xff;
	vm1 =	vcmask $0x3F20;
	s9 =	sadd.s32 $0x27200, s4;
	[sflag:s10] =	ssyncpa.u1 $0x0;
	s10 =	sadd.s32 $0x1, s8  }
.LBB2_6:
0x16: {  	[hbm:s17] =	stream.linear.scatter [tilespmem:s14], [sflag:$0x3], $0x400, $0x38;
	[tilespmem:$0x19320] =	vst v63  }
.LBB2_7:
0x17: {  	s13 =	sadd.s32 $0x190, s11  }
0x18: {  	s15 =	smov.u32 s1;
	p2 =	slt.s32 s13, s3  }
0x19: {  	s15 =	smov.u32 @p2 s13;
	p2 =	sne.s32 s12, s10  }
.Ltmp1:
0x1a: {  	p1 =	slt.u32 s12, $0x2;
	(pc) =	sbr.rel @!p2 .LBB2_8-.Ltmp1, $4  }
0x1b: {  	s14 =	simm.s32 @!p1 $0x3  }
0x1c: {  	s16 =	sadd.s32 $0x1, s12;
	_ =	swait.ge @!p1 [sflag:s14], $0xC800  }
0x1d: {  	p0 =	por !p0, !p0;
	s13 =	smov.u32 s11;
	[sflag:s14] =	ssyncset.done @!p1 $0x0  }
0x1e: {  	s12 =	smov.u32 s16;
	s11 =	smov.u32 s15;
	[sflag:s14] =	ssyncadd.s32 @!p1 $0xFFFF3800  }
.LBB2_1:
0x1f: {  	p1 =	sge.u32 s12, s8  }
0x20: {  	s14 =	sxor.u32 @!p1 $0xFFFFFFFF, s12  }
0x21: {  	s14 =	sand.u32 @!p1 $0x1, s14  }
0x22: {  	s14 =	smul.u32 @!p1 $0x640, s14  }
0x23: {  	s31 =	sadd.s32 $0xFFFFFFFF, s12;
	s15 =	sshrl.u32 @!p1 s11, $0x3  }
0x24: {  	s16 =	sand.u32 @!p1 $0x7, s11;
	s15 =	sadd.s32 @!p1 s5, s15;
	s14 =	sshrl.u32 @!p1 s14, $0x2  }
0x25: {  	[tilespmem:s14], [sflag:$0x2] =	stream.linear.gather @!p1 [hbm4b:s15+s16], $0x190, $0x38;
	[tilespmem:$0x19320] =	vst v63  }
0x26: {  	p1 =	sge.u32 s31, s8  }
.Ltmp2:
0x27: {  	_ = 	snop;
	(pc) =	sbr.rel @p1 .LBB2_7-.Ltmp2, $1  }
0x28: {  	_ =	sdelay $0x3  }
0x29: {  	s14 =	simm.s32 $0x1  }
0x2a: {  	s14 =	simm.s32 @!p0 $0x0  }
0x2b: {  	s15 =	smul.u32 $0x640, s14  }
0x2c: {  	_ =	swait.ge [sflag:s7], $0x190  }
0x2d: {  	[sflag:s7] =	ssyncset.done $0x0;
	s16 =	sshrl.u32 s15, $0x2  }
0x2e: {  	[sflag:s7] =	ssyncadd.s32 $0xFFFFFE70;
	s15 =	sadd.s32 $0x0, s16  }
0x2f: {  	v0 =	vld.msk [tilespmem:s15+$0x0 ss:$0x1], $0xffff;
	_ =	sdelay $0x4  }
0x30: {  	vm2 =	vgt.s32 v0, $0x0  }
0x31: {  	v0 =	vnsel vm2, $0x0, v0  }
0x32: {  	v0 =	vmin.u32 v0, $0x270F  }
0x33: {  	v0 =	vshll.u32 v0, $0x4  }
0x34: {  	s14 =	smul.u32 $0x32000, s14;
	_ =	sdelay $0x1  }
0x35: {  	s14 =	sshrl.u32 s14, $0x2  }
0x36: {  	s14 =	sor.u32 $0x320, s14  }
0x37: {  	[tilespmem:s14], [sflag:$0x1] =	stream.indirect_vreg.gather [hbm:s4], $0x80, v0, vm0, $0x38;
	[tilespmem:$0x19320] =	vst v63  }
0x38: {  	s17 =	sadd.s32 $0x10, s16;
	s15 =	sadd.s32 $0x400, s14  }
0x39: {  	[tilespmem:s15], [sflag:$0x1] =	stream.indirect_vreg.gather [hbm:s4], $0x80, v0, vm1, $0x38;
	[tilespmem:$0x19320] =	vst v63  }
0x3a: {  	s18 =	simm.s32 $0x80;
	v0 =	vld.msk [tilespmem:s17+$0x0 ss:$0x1], $0xffff;
	s17 =	smov.u32 s14  }
.LBB2_3:
0x3b: {  	p1 =	sne.s32 s18, $0x600;
	_ =	sdelay $0x4  }
0x3c: {  	vm2 =	vgt.s32 v0, $0x0  }
0x3d: {  	v0 =	vnsel vm2, $0x0, v0  }
0x3e: {  	v0 =	vmin.u32 v0, $0x270F  }
0x3f: {  	v0 =	vshll.u32 v0, $0x4;
	_ =	sdelay $0x3  }
.Ltmp3:
0x40: {  	s19 =	sshra.s32 s18, $0x2;
	s17 =	sadd.s32 $0x800, s17;
	(pc) =	sbr.rel @p1 .LBB2_3-.Ltmp3, $4  }
0x41: {  	[tilespmem:s17], [sflag:$0x1] =	stream.indirect_vreg.gather [hbm:s4], $0x80, v0, vm0, $0x38;
	[tilespmem:$0x19320] =	vst v63  }
0x42: {  	s19 =	sadd.s32 s19, s16;
	s20 =	sadd.s32 $0x400, s17  }
0x43: {  	[tilespmem:s20], [sflag:$0x1] =	stream.indirect_vreg.gather [hbm:s4], $0x80, v0, vm1, $0x38;
	[tilespmem:$0x19320] =	vst v63  }
0x44: {  	s18 =	sadd.s32 $0x40, s18;
	v0 =	vld.msk [tilespmem:s19+$0x0 ss:$0x1], $0xffff  }
0x45: {  	_ =	sdelay $0x3  }
0x46: {  	vm2 =	vgt.s32 v0, $0x0  }
0x47: {  	v0 =	vnsel vm2, $0x0, v0  }
0x48: {  	v0 =	vmin.u32 v0, $0x270F  }
0x49: {  	v0 =	vshll.u32 v0, $0x4;
	_ =	sdelay $0x3  }
0x4a: {  	s16 =	sadd.s32 $0x800, s17  }
0x4b: {  	[tilespmem:s16], [sflag:$0x1] =	stream.indirect_vreg.gather [hbm:s4], $0x80, v0, vm0, $0x38;
	[tilespmem:$0x19320] =	vst v63  }
0x4c: {  	s16 =	sadd.s32 $0x400, s16  }
0x4d: {  	[tilespmem:s16], [sflag:$0x1] =	stream.indirect_vreg.gather [hbm:s4], $0x80, v0, vm1, $0x38;
	[tilespmem:$0x19320] =	vst v63  }
0x4e: {  	s13 =	sshll.u32 s13, $0x4;
	_ =	swait.ge [sflag:s6], $0xC800  }
0x4f: {  	s13 =	sadd.s32 s13, s9;
	[sflag:s6] =	ssyncset.done $0x0  }
0x50: {  	s17 =	sadd.s32 $0x0, s13;
	s16 =	simm.s32 $0x80;
	[sflag:s6] =	ssyncadd.s32 $0xFFFF3800  }
.LBB2_5:
0x51: {  	[hbm:s17] =	stream.linear.scatter [tilespmem:s14], [sflag:$0x3], $0x400, $0x38;
	[tilespmem:$0x19320] =	vst v63  }
0x52: {  	s17 =	smov.u32 s16;
	s14 =	smov.u32 s15;
	p1 =	sne.s32 s16, $0x1880  }
.Ltmp4:
0x53: {  	s16 =	sadd.s32 $0x80, s16;
	(pc) =	sbr.rel @p1 .LBB2_5-.Ltmp4, $2  }
0x54: {  	_ =	sdelay $0x2  }
0x55: {  	s15 =	sadd.s32 $0x400, s15;
	s17 =	sadd.s32 s17, s13  }
.Ltmp5:
0x56: {  	_ = 	snop;
	(pc) =	sbr.rel .LBB2_6-.Ltmp5, $1  }
0x57: {  	_ =	sdelay $0x3  }
.LBB2_8:
0x58: {  	_ =	sfence.sel $0x180000  }
0x59: {  	s1 =	simm.s32 $0x2;
	[bflag:$0x0] =	sbarrier.arrive $0xFFFF  }
0x5a: {  	s30 =	simm.s32 $0x3;
	[sflag:s1] =	ssyncpa.u1 $0x1  }
0x5b: {  	s31 =	simm.s32 $0x1;
	[sflag:s30] =	ssyncpa.u1 $0x1  }
0x5c: {  	[sflag:s31] =	ssyncpa.u1 $0x1  }
0x5d: {  	p0 =	sne.s32 s0, $0x0;
	_ =	strace $0x9000004D  }
0x5e: {  	s0 =	sadd.s32 @!p0 $0x100000, s2;
	[bflag:$0x2] =	sbarrier.arrive $0xFFFF  }
0x5f: {  	[sflag:s0] =	ssyncadd.tile.s32 @!p0 $0x1;
	_ =	shalt  }
.Lfunc_end2:
_tile_overlayer_lowered:
.L_overlay_start_2:
0x60: {  	(tag) =	ssettag $0x2  }
0x61: {  	s0 =	rddreg [dreg:$0x0];
	s2 =	stileid.u32  }
0x62: {  	s1 =	rddreg [dreg:$0x1];
	p0 =	sne.s32 s2, $0x0  }
0x63: {  	s3 =	rddreg [dreg:$0x2];
	[bflag:$0x3] =	sbarrier.arrive $0xFFFF;
	s2 =	simm.s32 @!p0 $0x1C01  }
0x64: {  	[timem:s3], [sflag:s2] =	dma.local @!p0 [hbm:s0], s1  }
0x65: {  	s0 =	simm.s32 @!p0 $0x1  }
0x66: {  	_ =	swait.ge @!p0 [sflag:s0], s1  }
0x67: {  	s1 =	ssub.s32 @!p0 $0x0, s1;
	[sflag:s0] =	ssyncset.done @!p0 $0x0  }
0x68: {  	[sflag:s0] =	ssyncadd.s32 @!p0 s1  }
0x69: {  	[bflag:$0x3] =	sbarrier.arrive $0xFFFF  }
0x6a: {  	_ =	shalt  }

// kernel: gather_offload_async_start
scs
__scs_entry_jumppad:
0x0: {  	(pc) =	sbr.rel $0x88, $3  }
0x1: {  	(tag) =	ssettag $0x0;
	lr =	simm.s32 $0x1  }
0x2: {  	[smem:$0x3F93] =	sst lr;
	_ =	strace $0xD0000000  }
0x3: {  	_ = 	snop  }
0x4: {  	_ = 	snop  }
0x5: {  	_ = 	snop  }
0x6: {  	_ = 	snop  }
0x7: {  	_ = 	snop  }
__scs_overlays_trampoline_lowered:
0x8: {  	[smem:$0x3FA2] =	sst s0  }
0x9: {  	[smem:$0x3FA3] =	sst s1  }
0xa: {  	[smem:$0x3FA4] =	sst s2  }
0xb: {  	[smem:$0x3FA5] =	sst s3  }
0xc: {  	[smem:$0x3FA6] =	sst s4  }
0xd: {  	[smem:$0x3FA7] =	sst s5  }
0xe: {  	[smem:$0x3FA8] =	sst s6  }
0xf: {  	[smem:$0x3FA9] =	sst s7  }
0x10: {  	[smem:$0x3FAA] =	sst s8  }
0x11: {  	[smem:$0x3FAB] =	sst s9;
	s0 =	simm.s32 @!p0 $0x0  }
0x12: {  	s1 =	sld [smem:$0x3F91];
	s0 =	simm.s32 @p0 $0x1  }
0x13: {  	[smem:$0x3FAC] =	sst s0;
	s0 =	simm.s32 @!p1 $0x0  }
0x14: {  	s2 =	sld [smem:$0x3F90];
	s0 =	simm.s32 @p1 $0x1  }
0x15: {  	[smem:$0x3FAD] =	sst s0;
	s0 =	simm.s32 @!p2 $0x0  }
0x16: {  	s3 =	sld [smem:$0x3FDB];
	s0 =	simm.s32 @p2 $0x1  }
0x17: {  	s4 =	simm.s32 $0x1BF5;
	[smem:$0x3FAF] =	sst s0  }
0x18: {  	s0 =	sld [smem:$0x3F92];
	_ =	swait.ge [sflag:s4], $0x0  }
0x19: {  	s7 =	sld [smem:$0x3F93]  }
0x1a: {  	s8 =	sadd.s32 $0xFFFFE003, lr  }
0x1b: {  	s9 =	sadd.s32 $0xFFFFFEF7, lr;
	s5 =	simm.s32 $0xFFFFFFFF;
	p2 =	slt.u32 s8, $0xFFFFF086  }
0x1c: {  	p1 =	slt.u32 s9, $0xF7A;
	s5 =	simm.s32 @!p2 $0x0  }
0x1d: {  	s5 =	simm.s32 @p1 $0x1;
	p0 =	seq.s32 s7, s2  }
0x1e: {  	s7 =	smul.u32 @!p0 $0xF7A, s2;
	p2 =	seq.s32 @!p0 s5, $0x0  }
0x1f: {  	s9 =	smul.u32 $0xF7A, s1;
	s8 =	simm.s32 @!p0 $0x1BF5;
	p2 =	por !p2, p0  }
0x20: {  	[sflag:s8] =	ssyncset.s32 @!p0 $0xFFFFF086;
	s6 =	sadd.s32 @!p0 s3, s7;
	s7 =	simm.s32 @!p0 $0x108  }
0x21: {  	s3 =	sadd.s32 s3, s9;
	s6 =	sadd.s32 @!p0 $0x88, s6;
	s7 =	simm.s32 @p2 $0x1082  }
0x22: {  	[simem:s7], [sflag:s8] =	dma.local @!p0 [hbm:s6], $0xF7A  }
0x23: {  	s9 =	sor.u32 $0xD0000000, s2;
	s6 =	simm.s32 $0x108;
	_ =	swait.ge @!p0 [sflag:s8], $0x0  }
0x24: {  	s3 =	sadd.s32 $0x88, s3;
	s6 =	simm.s32 @!p1 $0x1082;
	[sflag:s4] =	ssyncset.s32 $0xFFFFF086  }
0x25: {  	[simem:s6], [sflag:s4] =	dma.local [hbm:s3], $0xF7A  }
0x26: {  	[smem:$0x3F93] =	sst s1;
	(tag) =	ssettag s2;
	_ =	strace s9  }
0x27: {  	s1 =	sld [smem:$0x3FA3]  }
0x28: {  	s2 =	sld [smem:$0x3FA4]  }
0x29: {  	s4 =	sld [smem:$0x3FA6]  }
0x2a: {  	p0 =	seq.s32 s5, $0x0;
	s5 =	sld [smem:$0x3FA7]  }
0x2b: {  	s6 =	sld [smem:$0x3FA8]  }
0x2c: {  	s7 =	sld [smem:$0x3FA9]  }
0x2d: {  	s3 =	simm.s32 $0x108;
	s8 =	sld [smem:$0x3FAA]  }
0x2e: {  	s3 =	simm.s32 @!p0 $0x1082;
	s9 =	sld [smem:$0x3FAB]  }
0x2f: {  	lr =	sadd.s32 s0, s3;
	s0 =	sld [smem:$0x3FA2]  }
0x30: {  	s3 =	sld [smem:$0x3FA5]  }
0x31: {  	[smem:$0x3FAE] =	sst s10  }
0x32: {  	s10 =	sld [smem:$0x3FAC];
	_ =	sdelay $0x3  }
0x33: {  	p0 =	seq.s32 s10, $0x1;
	s10 =	sld [smem:$0x3FAE];
	_ =	sdelay $0x3  }
0x34: {  	[smem:$0x3FAE] =	sst s10  }
0x35: {  	s10 =	sld [smem:$0x3FAD];
	_ =	sdelay $0x3  }
0x36: {  	p1 =	seq.s32 s10, $0x1;
	s10 =	sld [smem:$0x3FAE];
	_ =	sdelay $0x3  }
0x37: {  	[smem:$0x3FAE] =	sst s10  }
0x38: {  	s10 =	sld [smem:$0x3FAF]  }
0x39: {  	_ = 	snop;
	(pc) =	sbr.ind lr, $3  }
0x3a: {  	_ = 	snop  }
0x3b: {  	_ = 	snop  }
0x3c: {  	p2 =	seq.s32 s10, $0x1;
	s10 =	sld [smem:$0x3FAE]  }
0x3d: {  	_ =	shalt  }
0x3e: {  	_ =	shalt  }
0x3f: {  	_ =	shalt  }
0x40: {  	_ =	shalt  }
0x41: {  	_ =	shalt  }
0x42: {  	_ =	shalt  }
0x43: {  	_ =	shalt  }
0x44: {  	_ =	shalt  }
0x45: {  	_ =	shalt  }
0x46: {  	_ =	shalt  }
0x47: {  	_ =	shalt  }
0x48: {  	_ =	shalt  }
0x49: {  	_ =	shalt  }
0x4a: {  	_ =	shalt  }
0x4b: {  	_ =	shalt  }
0x4c: {  	_ =	shalt  }
0x4d: {  	_ =	shalt  }
0x4e: {  	_ =	shalt  }
0x4f: {  	_ =	shalt  }
0x50: {  	_ =	shalt  }
0x51: {  	_ =	shalt  }
0x52: {  	_ =	shalt  }
0x53: {  	_ =	shalt  }
0x54: {  	_ =	shalt  }
0x55: {  	_ =	shalt  }
0x56: {  	_ =	shalt  }
0x57: {  	_ =	shalt  }
0x58: {  	_ =	shalt  }
0x59: {  	_ =	shalt  }
0x5a: {  	_ =	shalt  }
0x5b: {  	_ =	shalt  }
0x5c: {  	_ =	shalt  }
0x5d: {  	_ =	shalt  }
0x5e: {  	_ =	shalt  }
0x5f: {  	_ =	shalt  }
0x60: {  	_ =	shalt  }
0x61: {  	_ =	shalt  }
0x62: {  	_ =	shalt  }
0x63: {  	_ =	shalt  }
0x64: {  	_ =	shalt  }
0x65: {  	_ =	shalt  }
0x66: {  	_ =	shalt  }
0x67: {  	_ =	shalt  }
0x68: {  	_ =	shalt  }
0x69: {  	_ =	shalt  }
0x6a: {  	_ =	shalt  }
0x6b: {  	_ =	shalt  }
0x6c: {  	_ =	shalt  }
0x6d: {  	_ =	shalt  }
0x6e: {  	_ =	shalt  }
0x6f: {  	_ =	shalt  }
0x70: {  	_ =	shalt  }
0x71: {  	_ =	shalt  }
0x72: {  	_ =	shalt  }
0x73: {  	_ =	shalt  }
0x74: {  	_ =	shalt  }
0x75: {  	_ =	shalt  }
0x76: {  	_ =	shalt  }
0x77: {  	_ =	shalt  }
0x78: {  	_ =	shalt  }
0x79: {  	_ =	shalt  }
0x7a: {  	_ =	shalt  }
0x7b: {  	_ =	shalt  }
0x7c: {  	_ =	shalt  }
0x7d: {  	_ =	shalt  }
0x7e: {  	_ =	shalt  }
0x7f: {  	_ =	shalt  }
0x80: {  	_ =	shalt  }
0x81: {  	_ =	shalt  }
0x82: {  	_ =	shalt  }
0x83: {  	_ =	shalt  }
0x84: {  	_ =	shalt  }
0x85: {  	_ =	shalt  }
0x86: {  	_ =	shalt  }
0x87: {  	_ =	shalt  }
.Lfunc_end0:
.L_simem_size_0:
called_computation_lowered:
.L_overlay_start_0:
0x88: {  	s0 =	sld [smem:$0x3FD9]  }
0x89: {  	s1 =	sld [smem:$0x3FFE];
	_ =	sdelay $0x3  }
0x8a: {  	s0 =	sadd.s32 s1, s0  }
0x8b: {  	[smem:$0x3FBA] =	sst s0  }
0x8c: {  	_ = 	snop  }
0x8d: {  	s0 =	sld [smem:$0x3FD0];
	(tm) =	ssettm $0x1  }
0x8e: {  	s16 =	sld [smem:$0x3FFB];
	_ =	sdelay $0x3  }
0x8f: {  	_ =	strace s16  }
0x90: {  	s1 =	sld [smem:$0x3FFC];
	_ =	sdelay $0x3  }
0x91: {  	_ =	strace s1  }
0x92: {  	s1 =	sld [smem:$0x3FFD];
	_ =	sdelay $0x3  }
0x93: {  	_ =	strace s1  }
0x94: {  	_ =	strace $0x8FFFFFFF  }
0x95: {  	s17 =	sld [smem:$0x3FDB];
	_ =	sdelay $0x1  }
0x96: {  	s2 =	simm.s32 $_scs_section_size  }
0x97: {  	s3 =	simm.s32 $_size__tile_overlayer_lowered;
	s4 =	simm.s32 $_tile_overlayer_lowered  }
0x98: {  	s20 =	simm.s32 $0x1BFF;
	s19 =	sshll.u32 s4, $0x1;
	s1 =	sadd.s32 s2, s17  }
0x99: {  	s5 =	simm.s32 $0x0;
	s18 =	sshll.u32 s3, $0x1;
	s3 =	sadd.s32 s19, s1  }
0x9a: {  	[timem:s5], [sflag:s20] =	dma.local [hbm:s3], s18  }
0x9b: {  	_ =	swait.ge [sflag:s20], s18  }
0x9c: {  	s2 =	ssub.s32 $0x0, s18;
	[sflag:s20] =	ssyncset.done $0x0  }
0x9d: {  	[sflag:s20] =	ssyncadd.s32 s2;
	_ =	sdelay $0x1  }
0x9e: {  	s21 =	simm.s32 $0x1B8B  }
0x9f: {  	_ =	swait.ge [sflag:s21], $0x1  }
0xa0: {  	[sflag:s21] =	ssyncset.done $0x0  }
0xa1: {  	s23 =	simm.s32 $0x1B8E;
	s22 =	sld [smem:$0x3FFE];
	[sflag:s21] =	ssyncadd.s32 $0xFFFFFFFF  }
0xa2: {  	s24 =	simm.s32 $execute0_lowered;
	[smem:$0x3FD2] =	sst s23  }
0xa3: {  	s3 =	sshll.u32 s24, $0x1;
	_ =	strace $0x80000049;
	[dreg:$0x1] =	wrdreg $0xFFFFFFFF  }
0xa4: {  	s25 =	simm.s32 $_size_execute0_lowered;
	s1 =	sadd.s32 s1, s3;
	[dreg:$0x0] =	wrdreg $0x0  }
0xa5: {  	s3 =	sshll.u32 s25, $0x1;
	[dreg:$0x2] =	wrdreg s1  }
0xa6: {  	[dreg:$0x3] =	wrdreg s3  }
0xa7: {  	[dreg:$0x4] =	wrdreg $0xC0  }
0xa8: {  	_ =	task [dreg:s5], $0x5FFFF  }
0xa9: {  	[dreg:$0x1] =	wrdreg $0xFFFFFFFF  }
0xaa: {  	[dreg:$0x0] =	wrdreg $0x60  }
0xab: {  	[dreg:$0x2] =	wrdreg s22  }
0xac: {  	[dreg:$0x3] =	wrdreg s0  }
0xad: {  	[dreg:$0x4] =	wrdreg $0x9  }
0xae: {  	_ =	task.clear_ibuf [dreg:s5], $0x5FFFF;
	_ =	strace $0x90000049  }
0xaf: {  	s26 =	simm.s32 $0x9;
	_ =	strace $0x8000004B  }
0xb0: {  	_ =	swait.ge [sflag:s26], $0x1  }
0xb1: {  	[sflag:s26] =	ssyncadd.s32 $0xFFFFFFFF  }
0xb2: {  	_ =	strace $0x9000004B  }
0xb3: {  	_ =	sfence  }
0xb4: {  	s28 =	sld [smem:$0x0];
	_ =	sdelay $0x1  }
0xb5: {  	s29 =	srdreg.scid  }
0xb6: {  	s30 =	sshll.u32 s29, $0xD;
	s31 =	sshrl.u32 s29, $0x2  }
0xb7: {  	s2 =	sand.u32 $0x4000, s30;
	s1 =	sand.u32 $0x1, s29;
	s0 =	sadd.s32 s31, s28  }
0xb8: {  	s1 =	sor.u32 s2, s1;
	s0 =	sshll.u32 s0, $0x11  }
0xb9: {  	s0 =	sor.u32 s0, s1  }
0xba: {  	s0 =	sadd.s32 $0x8F2B, s0  }
0xbb: {  	[sflag:s0] =	ssyncadd.remote.s32 $0x1  }
0xbc: {  	_ =	sfence.sel $0xFFFF  }
0xbd: {  	[dreg:$0x0] =	wrdreg $0xFFFFFFFF;
	(pc) =	sbr.abs _section_cstart, $3  }
0xbe: {  	[dreg:$0x1] =	wrdreg $0xFFFFFFFF  }
0xbf: {  	_ =	task.clear_ibuf [dreg:s5], $0x2FFFF;
	_ =	strace $0x9FFFFFFF  }
0xc0: {  	(tm) =	ssettm $0x7FFFFFFF  }
0xc1: {  	_ =	shalt  }
tec
execute0_lowered:
.L_overlay_start_1:
0x0: {  	(tag) =	ssettag $0x1  }
0x1: {  	s0 =	stileid.u32  }
0x2: {  	s1 =	smin.u32 s0, $0x9  }
0x3: {  	s1 =	sadd.s32 s0, s1  }
0x4: {  	s2 =	simm.s32 $0x320;
	p0 =	slt.u32 s0, $0x9;
	s1 =	smul.u32 $0x190, s1  }
0x5: {  	s2 =	simm.s32 @!p0 $0x190  }
0x6: {  	s2 =	sadd.s32 s2, s1  }
0x7: {  	s3 =	smin.u32 s2, $0x2710  }
0x8: {  	s7 =	ssub.s32 s3, s1  }
0x9: {  	p0 =	sgt.s32 s7, $0x0  }
0xa: {  	s7 =	simm.s32 @!p0 $0x0  }
0xb: {  	s31 =	sand.u32 $0xFFF0, s7  }
0xc: {  	s2 =	sshrl.u32 s31, $0x4  }
0xd: {  	s4 =	rddreg [dreg:$0x0];
	s2 =	smul.u32 $0xA3E, s2  }
0xe: {  	s5 =	rddreg [dreg:$0x1]  }
0xf: {  	s6 =	simm.s32 $0x1;
	s10 =	simm.s32 $0x3;
	s8 =	sshrl.u32 s2, $0x10  }
0x10: {  	s13 =	simm.s32 $0x0;
	s12 =	simm.s32 $0x0;
	s9 =	smul.u32 $0x190, s8  }
.Ltmp0:
0x11: {  	s11 =	smov.u32 s1;
	s2 =	rddreg [dreg:$0x2];
	(pc) =	sbr.rel .LBB2_1-.Ltmp0, $4  }
0x12: {  	_ =	strace $0x8000004A;
	p0 =	sne.s32 s7, s9;
	s9 =	simm.s32 $0x1  }
0x13: {  	[sflag:s6] =	ssyncpa.u1 $0x0;
	s7 =	simm.s32 $0x2;
	s9 =	simm.s32 @!p0 $0x0  }
0x14: {  	[sflag:s7] =	ssyncpa.u1 $0x0;
	p0 =	por $0x0, $0x0;
	s8 =	sadd.s32 s8, s9  }
0x15: {  	vm0 =	vmmov $0xff;
	vm1 =	vcmask $0x3F20;
	s9 =	sadd.s32 $0x27800, s4;
	[sflag:s10] =	ssyncpa.u1 $0x0;
	s10 =	sadd.s32 $0x1, s8  }
.LBB2_6:
0x16: {  	[hbm:s17] =	stream.linear.scatter [tilespmem:s14], [sflag:$0x3], $0x400, $0x38;
	[tilespmem:$0x19320] =	vst v63  }
.LBB2_7:
0x17: {  	s13 =	sadd.s32 $0x190, s11  }
0x18: {  	s15 =	smov.u32 s1;
	p2 =	slt.s32 s13, s3  }
0x19: {  	s15 =	smov.u32 @p2 s13;
	p2 =	sne.s32 s12, s10  }
.Ltmp1:
0x1a: {  	p1 =	slt.u32 s12, $0x2;
	(pc) =	sbr.rel @!p2 .LBB2_8-.Ltmp1, $4  }
0x1b: {  	s14 =	simm.s32 @!p1 $0x3  }
0x1c: {  	s16 =	sadd.s32 $0x1, s12;
	_ =	swait.ge @!p1 [sflag:s14], $0xC800  }
0x1d: {  	p0 =	por !p0, !p0;
	s13 =	smov.u32 s11;
	[sflag:s14] =	ssyncset.done @!p1 $0x0  }
0x1e: {  	s12 =	smov.u32 s16;
	s11 =	smov.u32 s15;
	[sflag:s14] =	ssyncadd.s32 @!p1 $0xFFFF3800  }
.LBB2_1:
0x1f: {  	p1 =	sge.u32 s12, s8  }
0x20: {  	s14 =	sxor.u32 @!p1 $0xFFFFFFFF, s12  }
0x21: {  	s14 =	sand.u32 @!p1 $0x1, s14  }
0x22: {  	s14 =	smul.u32 @!p1 $0x640, s14  }
0x23: {  	s31 =	sadd.s32 $0xFFFFFFFF, s12;
	s15 =	sshrl.u32 @!p1 s11, $0x3  }
0x24: {  	s16 =	sand.u32 @!p1 $0x7, s11;
	s15 =	sadd.s32 @!p1 s5, s15;
	s14 =	sshrl.u32 @!p1 s14, $0x2  }
0x25: {  	[tilespmem:s14], [sflag:$0x2] =	stream.linear.gather @!p1 [hbm4b:s15+s16], $0x190, $0x38;
	[tilespmem:$0x19320] =	vst v63  }
0x26: {  	p1 =	sge.u32 s31, s8  }
.Ltmp2:
0x27: {  	_ = 	snop;
	(pc) =	sbr.rel @p1 .LBB2_7-.Ltmp2, $1  }
0x28: {  	_ =	sdelay $0x3  }
0x29: {  	s14 =	simm.s32 $0x1  }
0x2a: {  	s14 =	simm.s32 @!p0 $0x0  }
0x2b: {  	s15 =	smul.u32 $0x640, s14  }
0x2c: {  	_ =	swait.ge [sflag:s7], $0x190  }
0x2d: {  	[sflag:s7] =	ssyncset.done $0x0;
	s16 =	sshrl.u32 s15, $0x2  }
0x2e: {  	[sflag:s7] =	ssyncadd.s32 $0xFFFFFE70;
	s15 =	sadd.s32 $0x0, s16  }
0x2f: {  	v0 =	vld.msk [tilespmem:s15+$0x0 ss:$0x1], $0xffff;
	_ =	sdelay $0x4  }
0x30: {  	vm2 =	vgt.s32 v0, $0x0  }
0x31: {  	v0 =	vnsel vm2, $0x0, v0  }
0x32: {  	v0 =	vmin.u32 v0, $0x270F  }
0x33: {  	v0 =	vshll.u32 v0, $0x4  }
0x34: {  	s14 =	smul.u32 $0x32000, s14;
	_ =	sdelay $0x1  }
0x35: {  	s14 =	sshrl.u32 s14, $0x2  }
0x36: {  	s14 =	sor.u32 $0x320, s14  }
0x37: {  	[tilespmem:s14], [sflag:$0x1] =	stream.indirect_vreg.gather [hbm:s4], $0x80, v0, vm0, $0x38;
	[tilespmem:$0x19320] =	vst v63  }
0x38: {  	s17 =	sadd.s32 $0x10, s16;
	s15 =	sadd.s32 $0x400, s14  }
0x39: {  	[tilespmem:s15], [sflag:$0x1] =	stream.indirect_vreg.gather [hbm:s4], $0x80, v0, vm1, $0x38;
	[tilespmem:$0x19320] =	vst v63  }
0x3a: {  	s18 =	simm.s32 $0x80;
	v0 =	vld.msk [tilespmem:s17+$0x0 ss:$0x1], $0xffff;
	s17 =	smov.u32 s14  }
.LBB2_3:
0x3b: {  	p1 =	sne.s32 s18, $0x600;
	_ =	sdelay $0x4  }
0x3c: {  	vm2 =	vgt.s32 v0, $0x0  }
0x3d: {  	v0 =	vnsel vm2, $0x0, v0  }
0x3e: {  	v0 =	vmin.u32 v0, $0x270F  }
0x3f: {  	v0 =	vshll.u32 v0, $0x4;
	_ =	sdelay $0x3  }
.Ltmp3:
0x40: {  	s19 =	sshra.s32 s18, $0x2;
	s17 =	sadd.s32 $0x800, s17;
	(pc) =	sbr.rel @p1 .LBB2_3-.Ltmp3, $4  }
0x41: {  	[tilespmem:s17], [sflag:$0x1] =	stream.indirect_vreg.gather [hbm:s4], $0x80, v0, vm0, $0x38;
	[tilespmem:$0x19320] =	vst v63  }
0x42: {  	s19 =	sadd.s32 s19, s16;
	s20 =	sadd.s32 $0x400, s17  }
0x43: {  	[tilespmem:s20], [sflag:$0x1] =	stream.indirect_vreg.gather [hbm:s4], $0x80, v0, vm1, $0x38;
	[tilespmem:$0x19320] =	vst v63  }
0x44: {  	s18 =	sadd.s32 $0x40, s18;
	v0 =	vld.msk [tilespmem:s19+$0x0 ss:$0x1], $0xffff  }
0x45: {  	_ =	sdelay $0x3  }
0x46: {  	vm2 =	vgt.s32 v0, $0x0  }
0x47: {  	v0 =	vnsel vm2, $0x0, v0  }
0x48: {  	v0 =	vmin.u32 v0, $0x270F  }
0x49: {  	v0 =	vshll.u32 v0, $0x4;
	_ =	sdelay $0x3  }
0x4a: {  	s16 =	sadd.s32 $0x800, s17  }
0x4b: {  	[tilespmem:s16], [sflag:$0x1] =	stream.indirect_vreg.gather [hbm:s4], $0x80, v0, vm0, $0x38;
	[tilespmem:$0x19320] =	vst v63  }
0x4c: {  	s16 =	sadd.s32 $0x400, s16  }
0x4d: {  	[tilespmem:s16], [sflag:$0x1] =	stream.indirect_vreg.gather [hbm:s4], $0x80, v0, vm1, $0x38;
	[tilespmem:$0x19320] =	vst v63  }
0x4e: {  	s13 =	sshll.u32 s13, $0x4;
	_ =	swait.ge [sflag:s6], $0xC800  }
0x4f: {  	s13 =	sadd.s32 s13, s9;
	[sflag:s6] =	ssyncset.done $0x0  }
0x50: {  	s17 =	sadd.s32 $0x0, s13;
	s16 =	simm.s32 $0x80;
	[sflag:s6] =	ssyncadd.s32 $0xFFFF3800  }
.LBB2_5:
0x51: {  	[hbm:s17] =	stream.linear.scatter [tilespmem:s14], [sflag:$0x3], $0x400, $0x38;
	[tilespmem:$0x19320] =	vst v63  }
0x52: {  	s17 =	smov.u32 s16;
	s14 =	smov.u32 s15;
	p1 =	sne.s32 s16, $0x1880  }
.Ltmp4:
0x53: {  	s16 =	sadd.s32 $0x80, s16;
	(pc) =	sbr.rel @p1 .LBB2_5-.Ltmp4, $2  }
0x54: {  	_ =	sdelay $0x2  }
0x55: {  	s15 =	sadd.s32 $0x400, s15;
	s17 =	sadd.s32 s17, s13  }
.Ltmp5:
0x56: {  	_ = 	snop;
	(pc) =	sbr.rel .LBB2_6-.Ltmp5, $1  }
0x57: {  	_ =	sdelay $0x3  }
.LBB2_8:
0x58: {  	_ =	sfence.sel $0x180000  }
0x59: {  	s1 =	simm.s32 $0x2;
	[bflag:$0x0] =	sbarrier.arrive $0xFFFF  }
0x5a: {  	s30 =	simm.s32 $0x3;
	[sflag:s1] =	ssyncpa.u1 $0x1  }
0x5b: {  	s31 =	simm.s32 $0x1;
	[sflag:s30] =	ssyncpa.u1 $0x1  }
0x5c: {  	[sflag:s31] =	ssyncpa.u1 $0x1  }
0x5d: {  	p0 =	sne.s32 s0, $0x0;
	_ =	strace $0x9000004A  }
0x5e: {  	s0 =	sadd.s32 @!p0 $0x100000, s2;
	[bflag:$0x2] =	sbarrier.arrive $0xFFFF  }
0x5f: {  	[sflag:s0] =	ssyncadd.tile.s32 @!p0 $0x1;
	_ =	shalt  }
.Lfunc_end2:
_tile_overlayer_lowered:
.L_overlay_start_2:
0x60: {  	(tag) =	ssettag $0x2  }
0x61: {  	s0 =	rddreg [dreg:$0x0];
	s2 =	stileid.u32  }
0x62: {  	s1 =	rddreg [dreg:$0x1];
	p0 =	sne.s32 s2, $0x0  }
0x63: {  	s3 =	rddreg [dreg:$0x2];
	[bflag:$0x3] =	sbarrier.arrive $0xFFFF;
	s2 =	simm.s32 @!p0 $0x1C01  }
0x64: {  	[timem:s3], [sflag:s2] =	dma.local @!p0 [hbm:s0], s1  }
0x65: {  	s0 =	simm.s32 @!p0 $0x1  }
0x66: {  	_ =	swait.ge @!p0 [sflag:s0], s1  }
0x67: {  	s1 =	ssub.s32 @!p0 $0x0, s1;
	[sflag:s0] =	ssyncset.done @!p0 $0x0  }
0x68: {  	[sflag:s0] =	ssyncadd.s32 @!p0 s1  }
0x69: {  	[bflag:$0x3] =	sbarrier.arrive $0xFFFF  }
0x6a: {  	_ =	shalt  }

</sc_bundles>
